<compile_context>
chip_gen: v7x
topology: tpu7x:2x2x1
jax: 0.10.2.dev20260603
libtpu: 0.0.44.dev20260713+nightly
codegen_flags: <defaults>
</compile_context>

<pallas_src>
import functools

import jax
import jax.numpy as jnp
from jax import lax
from jax.experimental import pallas as pl
from jax.experimental.pallas import tpu as pltpu
from jax.experimental.pallas import tpu_sc as plsc

_NV = 8
_GB = 8



def _vote_body(x_ref, i_ref):
    block = x_ref[...]
    gb, nv, n = block.shape
    t = pl.program_id(0)
    rowmax = jnp.max(block, axis=2)
    m = jnp.max(rowmax, axis=1, keepdims=True)
    ismax = rowmax == m
    counts = jnp.sum(ismax.astype(jnp.int32), axis=1)
    viota = jax.lax.broadcasted_iota(jnp.int32, (gb, nv), 1)
    votes_fast = jnp.min(jnp.where(ismax, viota, jnp.int32(nv)), axis=1)

    def _tie_vote(g):
        def _inner():
            vgrid = jax.lax.broadcasted_iota(jnp.int32, (nv, n), 0)
            fgrid = jax.lax.broadcasted_iota(jnp.int32, (nv, n), 1)
            keys = jnp.where(block[g] == m[g, 0], fgrid * nv + vgrid,
                             jnp.int32(2**31 - 1))
            return jnp.min(keys) % nv
        return _inner

    giota = jax.lax.broadcasted_iota(jnp.int32, (gb,), 0)
    votes = votes_fast
    for g in range(gb):
        vote = jax.lax.cond(counts[g] > 1, _tie_vote(g),
                            lambda vf=votes_fast[g]: vf)
        votes = jnp.where(giota == g, vote, votes)
    i_ref[0, 0, :] = (t * gb + giota) * _NV + votes


def _make_votes(b, n, interpret=False):
    return pl.pallas_call(
        _vote_body,
        grid=(b // _GB,),
        in_specs=[pl.BlockSpec((_GB, _NV, n), lambda g: (g, 0, 0))],
        out_specs=pl.BlockSpec((1, 1, _GB), lambda g: (g, 0, 0)),
        out_shape=jax.ShapeDtypeStruct((b // _GB, 1, _GB), jnp.int32),
        interpret=interpret,
    )



_RPG = 1
_NBUF = 3


def _make_sc_gather(b, n):
    nc = 2
    ns = 16
    nw = nc * ns
    rpw = b // nw
    ng = rpw // _RPG
    mesh = plsc.VectorSubcoreMesh(core_axis_name="c", subcore_axis_name="s")

    @functools.partial(
        pl.kernel,
        mesh=mesh,
        out_type=jax.ShapeDtypeStruct((b, n), jnp.float32),
        scratch_types=[
            pltpu.VMEM((ng, _RPG), jnp.int32),
            pltpu.VMEM((_NBUF, _RPG, n), jnp.float32),
            pltpu.SemaphoreType.DMA((_NBUF,)),
            pltpu.SemaphoreType.DMA((_NBUF,)),
        ],
    )
    def _sc(x_hbm, ids_hbm, out_hbm, idx_v, rows_v, semi, semo):
        wid = lax.axis_index("s") * nc + lax.axis_index("c")
        pltpu.sync_copy(ids_hbm.at[wid], idx_v)

        def _gather(h):
            return pltpu.async_copy(x_hbm.at[idx_v.at[h]],
                                    rows_v.at[h % _NBUF], semi.at[h % _NBUF])

        ci = [None] * ng
        co = [None] * ng
        for h in range(min(_NBUF, ng)):
            ci[h] = _gather(h)
        for h in range(ng):
            ci[h].wait()
            co[h] = pltpu.async_copy(
                rows_v.at[h % _NBUF],
                out_hbm.at[pl.ds(wid * rpw + h * _RPG, _RPG)],
                semo.at[h % _NBUF])
            if h + _NBUF < ng:
                co[h].wait()
                ci[h + _NBUF] = _gather(h + _NBUF)
        for h in range(ng):
            if h + _NBUF >= ng:
                co[h].wait()

    return _sc



def kernel(x):
    b = x.shape[0] // _NV
    xr = x.reshape(b, _NV, -1)
    n = xr.shape[-1]
    nw = 32
    ids = _make_votes(b, n)(xr).reshape(nw, b // (nw * _RPG), _RPG)
    out = _make_sc_gather(b, n)(x, ids)
    return out

# --- scband reference (transcript-rebuilt; emitter-appended) ---
"""Pipeline reference for scband-vote-58849641889921 (READ-ONLY COPY).

The authoritative reference and input builder live on the scoring server;
editing this copy changes nothing except your own understanding.
"""

import jax, jax.numpy as jnp
import numpy as np

NUM_VOTES = 8

def setup_inputs(seed: int = 0) -> dict:
    key = jax.random.key(seed)
    x = jax.random.normal(key, (1024, 32768), dtype=jnp.float32)
    return {"x": x}

def reference(x):
    B = x.shape[0] // NUM_VOTES
    xr = x.reshape(B, NUM_VOTES, -1)
    # x_bar = x.transpose(-2, -1).reshape(B, 1, -1)
    x_bar = jnp.transpose(xr, (0, 2, 1)).reshape(B, 1, -1)
    idx = jnp.argmax(x_bar, axis=2) % NUM_VOTES
    idx = jnp.squeeze(idx)
    return xr[jnp.arange(B), idx]

if __name__ == "__main__":
    import jax
    _d = setup_inputs()
    print(jax.jit(kernel)(*tuple(_d.values())))

</pallas_src>

<mosaic_0001>
#map = affine_map<(d0, d1) -> (0, 0)>
#map1 = affine_map<(d0, d1) -> (0, 0, 0)>
module attributes {stable_mosaic.version = 14 : i64} {
  func.func @_sc(%arg0: i32, %arg1: i32, %arg2: memref<1024x32768xf32, #tpu.memory_space<hbm>>, %arg3: memref<32x4x1xi32, #tpu.memory_space<hbm>>, %arg4: memref<128x32768xf32, #tpu.memory_space<hbm>>, %arg5: memref<4x1xi32, #tpu.memory_space<vmem>>, %arg6: memref<3x1x32768xf32, #tpu.memory_space<vmem>>, %arg7: memref<3x!tpu.dma_semaphore, #tpu.memory_space<semaphore_mem>>, %arg8: memref<3x!tpu.dma_semaphore, #tpu.memory_space<semaphore_mem>>) attributes {dimension_semantics = [#tpu.dimension_semantics<core_parallel>, #tpu.dimension_semantics<subcore_parallel>], iteration_bounds = array<i64: 2, 16>, scalar_prefetch = 0 : i64, scratch_operands = 4 : i64, tpu.core_type = #tpu.core_type<sc_vector_subcore>, window_params = [{transform_indices = #map}, {transform_indices = #map1}, {transform_indices = #map}]} {
    %mul3A = arith.constant 2 : i32
    %mul3A_0 = arith.muli %arg1, %mul3A : i32
    %add3A = arith.addi %mul3A_0, %arg0 : i32
    "tpu.region"() ({
      %run_scoped3A = tpu.sem_alloc : memref<!tpu.dma_semaphore, #tpu.memory_space<semaphore_mem>>
      %dma_start3A_263 = arith.constant 0 : i32
      %dma_start3A_264 = arith.constant 0 : i32
      %dma_start3A_265 = tpu.memref_slice %arg3[%add3A, %dma_start3A_263, %dma_start3A_264] : memref<32x4x1xi32, #tpu.memory_space<hbm>> -> memref<1x4x1xi32, #tpu.memory_space<hbm>>
      %dma_start3A_266 = tpu.memref_squeeze %dma_start3A_265 : memref<1x4x1xi32, #tpu.memory_space<hbm>> -> memref<4x1xi32, #tpu.memory_space<hbm>>
      %dma_start3A_267 = arith.constant 0 : i32
      %dma_start3A_268 = arith.constant 0 : i32
      %dma_start3A_269 = tpu.memref_slice %arg3[%add3A, %dma_start3A_267, %dma_start3A_268] : memref<32x4x1xi32, #tpu.memory_space<hbm>> -> memref<1x4x1xi32, #tpu.memory_space<hbm>>
      %dma_start3A_270 = tpu.memref_squeeze %dma_start3A_269 : memref<1x4x1xi32, #tpu.memory_space<hbm>> -> memref<4x1xi32, #tpu.memory_space<hbm>>
      tpu.enqueue_dma source(%dma_start3A_270 : memref<4x1xi32, #tpu.memory_space<hbm>>) target(%arg5 : memref<4x1xi32, #tpu.memory_space<vmem>>) target_semaphore(%run_scoped3A : memref<!tpu.dma_semaphore, #tpu.memory_space<semaphore_mem>>)
      %dma_wait3A_271 = arith.constant 0 : i32
      %dma_wait3A_272 = arith.constant 0 : i32
      %dma_wait3A_273 = tpu.memref_slice %arg3[%add3A, %dma_wait3A_271, %dma_wait3A_272] : memref<32x4x1xi32, #tpu.memory_space<hbm>> -> memref<1x4x1xi32, #tpu.memory_space<hbm>>
      %dma_wait3A_274 = tpu.memref_squeeze %dma_wait3A_273 : memref<1x4x1xi32, #tpu.memory_space<hbm>> -> memref<4x1xi32, #tpu.memory_space<hbm>>
      %dma_wait3A_275 = arith.constant 0 : i32
      %dma_wait3A_276 = arith.constant 0 : i32
      %dma_wait3A_277 = tpu.memref_slice %arg3[%add3A, %dma_wait3A_275, %dma_wait3A_276] : memref<32x4x1xi32, #tpu.memory_space<hbm>> -> memref<1x4x1xi32, #tpu.memory_space<hbm>>
      %dma_wait3A_278 = tpu.memref_squeeze %dma_wait3A_277 : memref<1x4x1xi32, #tpu.memory_space<hbm>> -> memref<4x1xi32, #tpu.memory_space<hbm>>
      tpu.wait_dma2 semaphore(%run_scoped3A : memref<!tpu.dma_semaphore, #tpu.memory_space<semaphore_mem>>) src(%dma_wait3A_278 : memref<4x1xi32, #tpu.memory_space<hbm>>) dst(%arg5 : memref<4x1xi32, #tpu.memory_space<vmem>>)
      tpu.yield
    }) : () -> ()
    %dma_start3A = arith.constant 0 : i32
    %dma_start3A_1 = arith.constant 0 : i32
    %dma_start3A_2 = arith.constant 0 : i32
    %dma_start3A_3 = arith.constant 0 : i32
    %dma_start3A_4 = arith.constant 0 : i32
    %dma_start3A_5 = tpu.memref_slice %arg6[%dma_start3A_1, %dma_start3A_3, %dma_start3A_4] : memref<3x1x32768xf32, #tpu.memory_space<vmem>> -> memref<1x1x32768xf32, #tpu.memory_space<vmem>>
    %dma_start3A_6 = tpu.memref_squeeze %dma_start3A_5 : memref<1x1x32768xf32, #tpu.memory_space<vmem>> -> memref<1x32768xf32, #tpu.memory_space<vmem>>
    %dma_start3A_7 = arith.constant 0 : i32
    %dma_start3A_8 = tpu.memref_slice %arg5[%dma_start3A, %dma_start3A_7] : memref<4x1xi32, #tpu.memory_space<vmem>> -> memref<1x1xi32, #tpu.memory_space<vmem>>
    %dma_start3A_9 = tpu.memref_squeeze %dma_start3A_8 : memref<1x1xi32, #tpu.memory_space<vmem>> -> memref<1xi32, #tpu.memory_space<vmem>>
    %dma_start3A_10 = arith.constant 0 : i32
    %dma_start3A_11 = arith.constant 0 : i32
    %dma_start3A_12 = tpu.memref_slice %arg2[%dma_start3A_10, %dma_start3A_11] : memref<1024x32768xf32, #tpu.memory_space<hbm>> -> memref<1024x32768xf32, #tpu.memory_space<hbm>>
    %dma_start3A_13 = tpu.memref_slice %arg7[%dma_start3A_2] : memref<3x!tpu.dma_semaphore, #tpu.memory_space<semaphore_mem>> -> memref<1x!tpu.dma_semaphore, #tpu.memory_space<semaphore_mem>>
    %dma_start3A_14 = tpu.memref_squeeze %dma_start3A_13 : memref<1x!tpu.dma_semaphore, #tpu.memory_space<semaphore_mem>> -> memref<!tpu.dma_semaphore, #tpu.memory_space<semaphore_mem>>
    tpu.enqueue_indirect_dma source(%dma_start3A_12 : memref<1024x32768xf32, #tpu.memory_space<hbm>>) target(%dma_start3A_6 : memref<1x32768xf32, #tpu.memory_space<vmem>>) offsets(%dma_start3A_9 : memref<1xi32, #tpu.memory_space<vmem>>) semaphore(%dma_start3A_14 : memref<!tpu.dma_semaphore, #tpu.memory_space<semaphore_mem>>)
    %dma_start3A_15 = arith.constant 1 : i32
    %dma_start3A_16 = arith.constant 1 : i32
    %dma_start3A_17 = arith.constant 1 : i32
    %dma_start3A_18 = arith.constant 0 : i32
    %dma_start3A_19 = arith.constant 0 : i32
    %dma_start3A_20 = tpu.memref_slice %arg6[%dma_start3A_16, %dma_start3A_18, %dma_start3A_19] : memref<3x1x32768xf32, #tpu.memory_space<vmem>> -> memref<1x1x32768xf32, #tpu.memory_space<vmem>>
    %dma_start3A_21 = tpu.memref_squeeze %dma_start3A_20 : memref<1x1x32768xf32, #tpu.memory_space<vmem>> -> memref<1x32768xf32, #tpu.memory_space<vmem>>
    %dma_start3A_22 = arith.constant 0 : i32
    %dma_start3A_23 = tpu.memref_slice %arg5[%dma_start3A_15, %dma_start3A_22] : memref<4x1xi32, #tpu.memory_space<vmem>> -> memref<1x1xi32, #tpu.memory_space<vmem>>
    %dma_start3A_24 = tpu.memref_squeeze %dma_start3A_23 : memref<1x1xi32, #tpu.memory_space<vmem>> -> memref<1xi32, #tpu.memory_space<vmem>>
    %dma_start3A_25 = arith.constant 0 : i32
    %dma_start3A_26 = arith.constant 0 : i32
    %dma_start3A_27 = tpu.memref_slice %arg2[%dma_start3A_25, %dma_start3A_26] : memref<1024x32768xf32, #tpu.memory_space<hbm>> -> memref<1024x32768xf32, #tpu.memory_space<hbm>>
    %dma_start3A_28 = tpu.memref_slice %arg7[%dma_start3A_17] : memref<3x!tpu.dma_semaphore, #tpu.memory_space<semaphore_mem>> -> memref<1x!tpu.dma_semaphore, #tpu.memory_space<semaphore_mem>>
    %dma_start3A_29 = tpu.memref_squeeze %dma_start3A_28 : memref<1x!tpu.dma_semaphore, #tpu.memory_space<semaphore_mem>> -> memref<!tpu.dma_semaphore, #tpu.memory_space<semaphore_mem>>
    tpu.enqueue_indirect_dma source(%dma_start3A_27 : memref<1024x32768xf32, #tpu.memory_space<hbm>>) target(%dma_start3A_21 : memref<1x32768xf32, #tpu.memory_space<vmem>>) offsets(%dma_start3A_24 : memref<1xi32, #tpu.memory_space<vmem>>) semaphore(%dma_start3A_29 : memref<!tpu.dma_semaphore, #tpu.memory_space<semaphore_mem>>)
    %dma_start3A_30 = arith.constant 2 : i32
    %dma_start3A_31 = arith.constant 2 : i32
    %dma_start3A_32 = arith.constant 2 : i32
    %dma_start3A_33 = arith.constant 0 : i32
    %dma_start3A_34 = arith.constant 0 : i32
    %dma_start3A_35 = tpu.memref_slice %arg6[%dma_start3A_31, %dma_start3A_33, %dma_start3A_34] : memref<3x1x32768xf32, #tpu.memory_space<vmem>> -> memref<1x1x32768xf32, #tpu.memory_space<vmem>>
    %dma_start3A_36 = tpu.memref_squeeze %dma_start3A_35 : memref<1x1x32768xf32, #tpu.memory_space<vmem>> -> memref<1x32768xf32, #tpu.memory_space<vmem>>
    %dma_start3A_37 = arith.constant 0 : i32
    %dma_start3A_38 = tpu.memref_slice %arg5[%dma_start3A_30, %dma_start3A_37] : memref<4x1xi32, #tpu.memory_space<vmem>> -> memref<1x1xi32, #tpu.memory_space<vmem>>
    %dma_start3A_39 = tpu.memref_squeeze %dma_start3A_38 : memref<1x1xi32, #tpu.memory_space<vmem>> -> memref<1xi32, #tpu.memory_space<vmem>>
    %dma_start3A_40 = arith.constant 0 : i32
    %dma_start3A_41 = arith.constant 0 : i32
    %dma_start3A_42 = tpu.memref_slice %arg2[%dma_start3A_40, %dma_start3A_41] : memref<1024x32768xf32, #tpu.memory_space<hbm>> -> memref<1024x32768xf32, #tpu.memory_space<hbm>>
    %dma_start3A_43 = tpu.memref_slice %arg7[%dma_start3A_32] : memref<3x!tpu.dma_semaphore, #tpu.memory_space<semaphore_mem>> -> memref<1x!tpu.dma_semaphore, #tpu.memory_space<semaphore_mem>>
    %dma_start3A_44 = tpu.memref_squeeze %dma_start3A_43 : memref<1x!tpu.dma_semaphore, #tpu.memory_space<semaphore_mem>> -> memref<!tpu.dma_semaphore, #tpu.memory_space<semaphore_mem>>
    tpu.enqueue_indirect_dma source(%dma_start3A_42 : memref<1024x32768xf32, #tpu.memory_space<hbm>>) target(%dma_start3A_36 : memref<1x32768xf32, #tpu.memory_space<vmem>>) offsets(%dma_start3A_39 : memref<1xi32, #tpu.memory_space<vmem>>) semaphore(%dma_start3A_44 : memref<!tpu.dma_semaphore, #tpu.memory_space<semaphore_mem>>)
    %dma_wait3A = arith.constant 0 : i32
    %dma_wait3A_45 = arith.constant 0 : i32
    %dma_wait3A_46 = arith.constant 0 : i32
    %dma_wait3A_47 = arith.constant 0 : i32
    %dma_wait3A_48 = arith.constant 0 : i32
    %dma_wait3A_49 = tpu.memref_slice %arg6[%dma_wait3A_45, %dma_wait3A_47, %dma_wait3A_48] : memref<3x1x32768xf32, #tpu.memory_space<vmem>> -> memref<1x1x32768xf32, #tpu.memory_space<vmem>>
    %dma_wait3A_50 = tpu.memref_squeeze %dma_wait3A_49 : memref<1x1x32768xf32, #tpu.memory_space<vmem>> -> memref<1x32768xf32, #tpu.memory_space<vmem>>
    %dma_wait3A_51 = arith.constant 0 : i32
    %dma_wait3A_52 = tpu.memref_slice %arg5[%dma_wait3A, %dma_wait3A_51] : memref<4x1xi32, #tpu.memory_space<vmem>> -> memref<1x1xi32, #tpu.memory_space<vmem>>
    %dma_wait3A_53 = tpu.memref_squeeze %dma_wait3A_52 : memref<1x1xi32, #tpu.memory_space<vmem>> -> memref<1xi32, #tpu.memory_space<vmem>>
    %dma_wait3A_54 = arith.constant 0 : i32
    %dma_wait3A_55 = arith.constant 0 : i32
    %dma_wait3A_56 = tpu.memref_slice %arg2[%dma_wait3A_54, %dma_wait3A_55] : memref<1024x32768xf32, #tpu.memory_space<hbm>> -> memref<1024x32768xf32, #tpu.memory_space<hbm>>
    %dma_wait3A_57 = tpu.memref_slice %arg7[%dma_wait3A_46] : memref<3x!tpu.dma_semaphore, #tpu.memory_space<semaphore_mem>> -> memref<1x!tpu.dma_semaphore, #tpu.memory_space<semaphore_mem>>
    %dma_wait3A_58 = tpu.memref_squeeze %dma_wait3A_57 : memref<1x!tpu.dma_semaphore, #tpu.memory_space<semaphore_mem>> -> memref<!tpu.dma_semaphore, #tpu.memory_space<semaphore_mem>>
    tpu.wait_indirect_dma semaphore(%dma_wait3A_58 : memref<!tpu.dma_semaphore, #tpu.memory_space<semaphore_mem>>) src(%dma_wait3A_56 : memref<1024x32768xf32, #tpu.memory_space<hbm>>) dst(%dma_wait3A_50 : memref<1x32768xf32, #tpu.memory_space<vmem>>)
    %mul3A_59 = arith.constant 4 : i32
    %mul3A_60 = arith.muli %add3A, %mul3A_59 : i32
    %add3A_61 = arith.constant 0 : i32
    %add3A_62 = arith.addi %mul3A_60, %add3A_61 : i32
    %dma_start3A_63 = arith.constant 0 : i32
    %dma_start3A_64 = arith.constant 0 : i32
    %dma_start3A_65 = arith.constant 0 : i32
    %dma_start3A_66 = arith.constant 0 : i32
    %dma_start3A_67 = tpu.memref_slice %arg6[%dma_start3A_63, %dma_start3A_65, %dma_start3A_66] : memref<3x1x32768xf32, #tpu.memory_space<vmem>> -> memref<1x1x32768xf32, #tpu.memory_space<vmem>>
    %dma_start3A_68 = tpu.memref_squeeze %dma_start3A_67 : memref<1x1x32768xf32, #tpu.memory_space<vmem>> -> memref<1x32768xf32, #tpu.memory_space<vmem>>
    %dma_start3A_69 = arith.constant 0 : i32
    %dma_start3A_70 = tpu.memref_slice %arg4[%add3A_62, %dma_start3A_69] : memref<128x32768xf32, #tpu.memory_space<hbm>> -> memref<1x32768xf32, #tpu.memory_space<hbm>>
    %dma_start3A_71 = tpu.memref_slice %arg8[%dma_start3A_64] : memref<3x!tpu.dma_semaphore, #tpu.memory_space<semaphore_mem>> -> memref<1x!tpu.dma_semaphore, #tpu.memory_space<semaphore_mem>>
    %dma_start3A_72 = tpu.memref_squeeze %dma_start3A_71 : memref<1x!tpu.dma_semaphore, #tpu.memory_space<semaphore_mem>> -> memref<!tpu.dma_semaphore, #tpu.memory_space<semaphore_mem>>
    %dma_start3A_73 = arith.constant 0 : i32
    %dma_start3A_74 = tpu.memref_slice %arg4[%add3A_62, %dma_start3A_73] : memref<128x32768xf32, #tpu.memory_space<hbm>> -> memref<1x32768xf32, #tpu.memory_space<hbm>>
    %dma_start3A_75 = arith.constant 0 : i32
    %dma_start3A_76 = arith.constant 0 : i32
    %dma_start3A_77 = tpu.memref_slice %arg6[%dma_start3A_63, %dma_start3A_75, %dma_start3A_76] : memref<3x1x32768xf32, #tpu.memory_space<vmem>> -> memref<1x1x32768xf32, #tpu.memory_space<vmem>>
    %dma_start3A_78 = tpu.memref_squeeze %dma_start3A_77 : memref<1x1x32768xf32, #tpu.memory_space<vmem>> -> memref<1x32768xf32, #tpu.memory_space<vmem>>
    tpu.enqueue_dma source(%dma_start3A_78 : memref<1x32768xf32, #tpu.memory_space<vmem>>) target(%dma_start3A_74 : memref<1x32768xf32, #tpu.memory_space<hbm>>) target_semaphore(%dma_start3A_72 : memref<!tpu.dma_semaphore, #tpu.memory_space<semaphore_mem>>)
    %dma_wait3A_79 = arith.constant 0 : i32
    %dma_wait3A_80 = arith.constant 0 : i32
    %dma_wait3A_81 = arith.constant 0 : i32
    %dma_wait3A_82 = arith.constant 0 : i32
    %dma_wait3A_83 = tpu.memref_slice %arg6[%dma_wait3A_79, %dma_wait3A_81, %dma_wait3A_82] : memref<3x1x32768xf32, #tpu.memory_space<vmem>> -> memref<1x1x32768xf32, #tpu.memory_space<vmem>>
    %dma_wait3A_84 = tpu.memref_squeeze %dma_wait3A_83 : memref<1x1x32768xf32, #tpu.memory_space<vmem>> -> memref<1x32768xf32, #tpu.memory_space<vmem>>
    %dma_wait3A_85 = arith.constant 0 : i32
    %dma_wait3A_86 = tpu.memref_slice %arg4[%add3A_62, %dma_wait3A_85] : memref<128x32768xf32, #tpu.memory_space<hbm>> -> memref<1x32768xf32, #tpu.memory_space<hbm>>
    %dma_wait3A_87 = tpu.memref_slice %arg8[%dma_wait3A_80] : memref<3x!tpu.dma_semaphore, #tpu.memory_space<semaphore_mem>> -> memref<1x!tpu.dma_semaphore, #tpu.memory_space<semaphore_mem>>
    %dma_wait3A_88 = tpu.memref_squeeze %dma_wait3A_87 : memref<1x!tpu.dma_semaphore, #tpu.memory_space<semaphore_mem>> -> memref<!tpu.dma_semaphore, #tpu.memory_space<semaphore_mem>>
    %dma_wait3A_89 = arith.constant 0 : i32
    %dma_wait3A_90 = tpu.memref_slice %arg4[%add3A_62, %dma_wait3A_89] : memref<128x32768xf32, #tpu.memory_space<hbm>> -> memref<1x32768xf32, #tpu.memory_space<hbm>>
    %dma_wait3A_91 = arith.constant 0 : i32
    %dma_wait3A_92 = arith.constant 0 : i32
    %dma_wait3A_93 = tpu.memref_slice %arg6[%dma_wait3A_79, %dma_wait3A_91, %dma_wait3A_92] : memref<3x1x32768xf32, #tpu.memory_space<vmem>> -> memref<1x1x32768xf32, #tpu.memory_space<vmem>>
    %dma_wait3A_94 = tpu.memref_squeeze %dma_wait3A_93 : memref<1x1x32768xf32, #tpu.memory_space<vmem>> -> memref<1x32768xf32, #tpu.memory_space<vmem>>
    tpu.wait_dma2 semaphore(%dma_wait3A_88 : memref<!tpu.dma_semaphore, #tpu.memory_space<semaphore_mem>>) src(%dma_wait3A_94 : memref<1x32768xf32, #tpu.memory_space<vmem>>) dst(%dma_wait3A_90 : memref<1x32768xf32, #tpu.memory_space<hbm>>)
    %dma_start3A_95 = arith.constant 3 : i32
    %dma_start3A_96 = arith.constant 0 : i32
    %dma_start3A_97 = arith.constant 0 : i32
    %dma_start3A_98 = arith.constant 0 : i32
    %dma_start3A_99 = arith.constant 0 : i32
    %dma_start3A_100 = tpu.memref_slice %arg6[%dma_start3A_96, %dma_start3A_98, %dma_start3A_99] : memref<3x1x32768xf32, #tpu.memory_space<vmem>> -> memref<1x1x32768xf32, #tpu.memory_space<vmem>>
    %dma_start3A_101 = tpu.memref_squeeze %dma_start3A_100 : memref<1x1x32768xf32, #tpu.memory_space<vmem>> -> memref<1x32768xf32, #tpu.memory_space<vmem>>
    %dma_start3A_102 = arith.constant 0 : i32
    %dma_start3A_103 = tpu.memref_slice %arg5[%dma_start3A_95, %dma_start3A_102] : memref<4x1xi32, #tpu.memory_space<vmem>> -> memref<1x1xi32, #tpu.memory_space<vmem>>
    %dma_start3A_104 = tpu.memref_squeeze %dma_start3A_103 : memref<1x1xi32, #tpu.memory_space<vmem>> -> memref<1xi32, #tpu.memory_space<vmem>>
    %dma_start3A_105 = arith.constant 0 : i32
    %dma_start3A_106 = arith.constant 0 : i32
    %dma_start3A_107 = tpu.memref_slice %arg2[%dma_start3A_105, %dma_start3A_106] : memref<1024x32768xf32, #tpu.memory_space<hbm>> -> memref<1024x32768xf32, #tpu.memory_space<hbm>>
    %dma_start3A_108 = tpu.memref_slice %arg7[%dma_start3A_97] : memref<3x!tpu.dma_semaphore, #tpu.memory_space<semaphore_mem>> -> memref<1x!tpu.dma_semaphore, #tpu.memory_space<semaphore_mem>>
    %dma_start3A_109 = tpu.memref_squeeze %dma_start3A_108 : memref<1x!tpu.dma_semaphore, #tpu.memory_space<semaphore_mem>> -> memref<!tpu.dma_semaphore, #tpu.memory_space<semaphore_mem>>
    tpu.enqueue_indirect_dma source(%dma_start3A_107 : memref<1024x32768xf32, #tpu.memory_space<hbm>>) target(%dma_start3A_101 : memref<1x32768xf32, #tpu.memory_space<vmem>>) offsets(%dma_start3A_104 : memref<1xi32, #tpu.memory_space<vmem>>) semaphore(%dma_start3A_109 : memref<!tpu.dma_semaphore, #tpu.memory_space<semaphore_mem>>)
    %dma_wait3A_110 = arith.constant 1 : i32
    %dma_wait3A_111 = arith.constant 1 : i32
    %dma_wait3A_112 = arith.constant 1 : i32
    %dma_wait3A_113 = arith.constant 0 : i32
    %dma_wait3A_114 = arith.constant 0 : i32
    %dma_wait3A_115 = tpu.memref_slice %arg6[%dma_wait3A_111, %dma_wait3A_113, %dma_wait3A_114] : memref<3x1x32768xf32, #tpu.memory_space<vmem>> -> memref<1x1x32768xf32, #tpu.memory_space<vmem>>
    %dma_wait3A_116 = tpu.memref_squeeze %dma_wait3A_115 : memref<1x1x32768xf32, #tpu.memory_space<vmem>> -> memref<1x32768xf32, #tpu.memory_space<vmem>>
    %dma_wait3A_117 = arith.constant 0 : i32
    %dma_wait3A_118 = tpu.memref_slice %arg5[%dma_wait3A_110, %dma_wait3A_117] : memref<4x1xi32, #tpu.memory_space<vmem>> -> memref<1x1xi32, #tpu.memory_space<vmem>>
    %dma_wait3A_119 = tpu.memref_squeeze %dma_wait3A_118 : memref<1x1xi32, #tpu.memory_space<vmem>> -> memref<1xi32, #tpu.memory_space<vmem>>
    %dma_wait3A_120 = arith.constant 0 : i32
    %dma_wait3A_121 = arith.constant 0 : i32
    %dma_wait3A_122 = tpu.memref_slice %arg2[%dma_wait3A_120, %dma_wait3A_121] : memref<1024x32768xf32, #tpu.memory_space<hbm>> -> memref<1024x32768xf32, #tpu.memory_space<hbm>>
    %dma_wait3A_123 = tpu.memref_slice %arg7[%dma_wait3A_112] : memref<3x!tpu.dma_semaphore, #tpu.memory_space<semaphore_mem>> -> memref<1x!tpu.dma_semaphore, #tpu.memory_space<semaphore_mem>>
    %dma_wait3A_124 = tpu.memref_squeeze %dma_wait3A_123 : memref<1x!tpu.dma_semaphore, #tpu.memory_space<semaphore_mem>> -> memref<!tpu.dma_semaphore, #tpu.memory_space<semaphore_mem>>
    tpu.wait_indirect_dma semaphore(%dma_wait3A_124 : memref<!tpu.dma_semaphore, #tpu.memory_space<semaphore_mem>>) src(%dma_wait3A_122 : memref<1024x32768xf32, #tpu.memory_space<hbm>>) dst(%dma_wait3A_116 : memref<1x32768xf32, #tpu.memory_space<vmem>>)
    %mul3A_125 = arith.constant 4 : i32
    %mul3A_126 = arith.muli %add3A, %mul3A_125 : i32
    %add3A_127 = arith.constant 1 : i32
    %add3A_128 = arith.addi %mul3A_126, %add3A_127 : i32
    %dma_start3A_129 = arith.constant 1 : i32
    %dma_start3A_130 = arith.constant 1 : i32
    %dma_start3A_131 = arith.constant 0 : i32
    %dma_start3A_132 = arith.constant 0 : i32
    %dma_start3A_133 = tpu.memref_slice %arg6[%dma_start3A_129, %dma_start3A_131, %dma_start3A_132] : memref<3x1x32768xf32, #tpu.memory_space<vmem>> -> memref<1x1x32768xf32, #tpu.memory_space<vmem>>
    %dma_start3A_134 = tpu.memref_squeeze %dma_start3A_133 : memref<1x1x32768xf32, #tpu.memory_space<vmem>> -> memref<1x32768xf32, #tpu.memory_space<vmem>>
    %dma_start3A_135 = arith.constant 0 : i32
    %dma_start3A_136 = tpu.memref_slice %arg4[%add3A_128, %dma_start3A_135] : memref<128x32768xf32, #tpu.memory_space<hbm>> -> memref<1x32768xf32, #tpu.memory_space<hbm>>
    %dma_start3A_137 = tpu.memref_slice %arg8[%dma_start3A_130] : memref<3x!tpu.dma_semaphore, #tpu.memory_space<semaphore_mem>> -> memref<1x!tpu.dma_semaphore, #tpu.memory_space<semaphore_mem>>
    %dma_start3A_138 = tpu.memref_squeeze %dma_start3A_137 : memref<1x!tpu.dma_semaphore, #tpu.memory_space<semaphore_mem>> -> memref<!tpu.dma_semaphore, #tpu.memory_space<semaphore_mem>>
    %dma_start3A_139 = arith.constant 0 : i32
    %dma_start3A_140 = tpu.memref_slice %arg4[%add3A_128, %dma_start3A_139] : memref<128x32768xf32, #tpu.memory_space<hbm>> -> memref<1x32768xf32, #tpu.memory_space<hbm>>
    %dma_start3A_141 = arith.constant 0 : i32
    %dma_start3A_142 = arith.constant 0 : i32
    %dma_start3A_143 = tpu.memref_slice %arg6[%dma_start3A_129, %dma_start3A_141, %dma_start3A_142] : memref<3x1x32768xf32, #tpu.memory_space<vmem>> -> memref<1x1x32768xf32, #tpu.memory_space<vmem>>
    %dma_start3A_144 = tpu.memref_squeeze %dma_start3A_143 : memref<1x1x32768xf32, #tpu.memory_space<vmem>> -> memref<1x32768xf32, #tpu.memory_space<vmem>>
    tpu.enqueue_dma source(%dma_start3A_144 : memref<1x32768xf32, #tpu.memory_space<vmem>>) target(%dma_start3A_140 : memref<1x32768xf32, #tpu.memory_space<hbm>>) target_semaphore(%dma_start3A_138 : memref<!tpu.dma_semaphore, #tpu.memory_space<semaphore_mem>>)
    %dma_wait3A_145 = arith.constant 2 : i32
    %dma_wait3A_146 = arith.constant 2 : i32
    %dma_wait3A_147 = arith.constant 2 : i32
    %dma_wait3A_148 = arith.constant 0 : i32
    %dma_wait3A_149 = arith.constant 0 : i32
    %dma_wait3A_150 = tpu.memref_slice %arg6[%dma_wait3A_146, %dma_wait3A_148, %dma_wait3A_149] : memref<3x1x32768xf32, #tpu.memory_space<vmem>> -> memref<1x1x32768xf32, #tpu.memory_space<vmem>>
    %dma_wait3A_151 = tpu.memref_squeeze %dma_wait3A_150 : memref<1x1x32768xf32, #tpu.memory_space<vmem>> -> memref<1x32768xf32, #tpu.memory_space<vmem>>
    %dma_wait3A_152 = arith.constant 0 : i32
    %dma_wait3A_153 = tpu.memref_slice %arg5[%dma_wait3A_145, %dma_wait3A_152] : memref<4x1xi32, #tpu.memory_space<vmem>> -> memref<1x1xi32, #tpu.memory_space<vmem>>
    %dma_wait3A_154 = tpu.memref_squeeze %dma_wait3A_153 : memref<1x1xi32, #tpu.memory_space<vmem>> -> memref<1xi32, #tpu.memory_space<vmem>>
    %dma_wait3A_155 = arith.constant 0 : i32
    %dma_wait3A_156 = arith.constant 0 : i32
    %dma_wait3A_157 = tpu.memref_slice %arg2[%dma_wait3A_155, %dma_wait3A_156] : memref<1024x32768xf32, #tpu.memory_space<hbm>> -> memref<1024x32768xf32, #tpu.memory_space<hbm>>
    %dma_wait3A_158 = tpu.memref_slice %arg7[%dma_wait3A_147] : memref<3x!tpu.dma_semaphore, #tpu.memory_space<semaphore_mem>> -> memref<1x!tpu.dma_semaphore, #tpu.memory_space<semaphore_mem>>
    %dma_wait3A_159 = tpu.memref_squeeze %dma_wait3A_158 : memref<1x!tpu.dma_semaphore, #tpu.memory_space<semaphore_mem>> -> memref<!tpu.dma_semaphore, #tpu.memory_space<semaphore_mem>>
    tpu.wait_indirect_dma semaphore(%dma_wait3A_159 : memref<!tpu.dma_semaphore, #tpu.memory_space<semaphore_mem>>) src(%dma_wait3A_157 : memref<1024x32768xf32, #tpu.memory_space<hbm>>) dst(%dma_wait3A_151 : memref<1x32768xf32, #tpu.memory_space<vmem>>)
    %mul3A_160 = arith.constant 4 : i32
    %mul3A_161 = arith.muli %add3A, %mul3A_160 : i32
    %add3A_162 = arith.constant 2 : i32
    %add3A_163 = arith.addi %mul3A_161, %add3A_162 : i32
    %dma_start3A_164 = arith.constant 2 : i32
    %dma_start3A_165 = arith.constant 2 : i32
    %dma_start3A_166 = arith.constant 0 : i32
    %dma_start3A_167 = arith.constant 0 : i32
    %dma_start3A_168 = tpu.memref_slice %arg6[%dma_start3A_164, %dma_start3A_166, %dma_start3A_167] : memref<3x1x32768xf32, #tpu.memory_space<vmem>> -> memref<1x1x32768xf32, #tpu.memory_space<vmem>>
    %dma_start3A_169 = tpu.memref_squeeze %dma_start3A_168 : memref<1x1x32768xf32, #tpu.memory_space<vmem>> -> memref<1x32768xf32, #tpu.memory_space<vmem>>
    %dma_start3A_170 = arith.constant 0 : i32
    %dma_start3A_171 = tpu.memref_slice %arg4[%add3A_163, %dma_start3A_170] : memref<128x32768xf32, #tpu.memory_space<hbm>> -> memref<1x32768xf32, #tpu.memory_space<hbm>>
    %dma_start3A_172 = tpu.memref_slice %arg8[%dma_start3A_165] : memref<3x!tpu.dma_semaphore, #tpu.memory_space<semaphore_mem>> -> memref<1x!tpu.dma_semaphore, #tpu.memory_space<semaphore_mem>>
    %dma_start3A_173 = tpu.memref_squeeze %dma_start3A_172 : memref<1x!tpu.dma_semaphore, #tpu.memory_space<semaphore_mem>> -> memref<!tpu.dma_semaphore, #tpu.memory_space<semaphore_mem>>
    %dma_start3A_174 = arith.constant 0 : i32
    %dma_start3A_175 = tpu.memref_slice %arg4[%add3A_163, %dma_start3A_174] : memref<128x32768xf32, #tpu.memory_space<hbm>> -> memref<1x32768xf32, #tpu.memory_space<hbm>>
    %dma_start3A_176 = arith.constant 0 : i32
    %dma_start3A_177 = arith.constant 0 : i32
    %dma_start3A_178 = tpu.memref_slice %arg6[%dma_start3A_164, %dma_start3A_176, %dma_start3A_177] : memref<3x1x32768xf32, #tpu.memory_space<vmem>> -> memref<1x1x32768xf32, #tpu.memory_space<vmem>>
    %dma_start3A_179 = tpu.memref_squeeze %dma_start3A_178 : memref<1x1x32768xf32, #tpu.memory_space<vmem>> -> memref<1x32768xf32, #tpu.memory_space<vmem>>
    tpu.enqueue_dma source(%dma_start3A_179 : memref<1x32768xf32, #tpu.memory_space<vmem>>) target(%dma_start3A_175 : memref<1x32768xf32, #tpu.memory_space<hbm>>) target_semaphore(%dma_start3A_173 : memref<!tpu.dma_semaphore, #tpu.memory_space<semaphore_mem>>)
    %dma_wait3A_180 = arith.constant 3 : i32
    %dma_wait3A_181 = arith.constant 0 : i32
    %dma_wait3A_182 = arith.constant 0 : i32
    %dma_wait3A_183 = arith.constant 0 : i32
    %dma_wait3A_184 = arith.constant 0 : i32
    %dma_wait3A_185 = tpu.memref_slice %arg6[%dma_wait3A_181, %dma_wait3A_183, %dma_wait3A_184] : memref<3x1x32768xf32, #tpu.memory_space<vmem>> -> memref<1x1x32768xf32, #tpu.memory_space<vmem>>
    %dma_wait3A_186 = tpu.memref_squeeze %dma_wait3A_185 : memref<1x1x32768xf32, #tpu.memory_space<vmem>> -> memref<1x32768xf32, #tpu.memory_space<vmem>>
    %dma_wait3A_187 = arith.constant 0 : i32
    %dma_wait3A_188 = tpu.memref_slice %arg5[%dma_wait3A_180, %dma_wait3A_187] : memref<4x1xi32, #tpu.memory_space<vmem>> -> memref<1x1xi32, #tpu.memory_space<vmem>>
    %dma_wait3A_189 = tpu.memref_squeeze %dma_wait3A_188 : memref<1x1xi32, #tpu.memory_space<vmem>> -> memref<1xi32, #tpu.memory_space<vmem>>
    %dma_wait3A_190 = arith.constant 0 : i32
    %dma_wait3A_191 = arith.constant 0 : i32
    %dma_wait3A_192 = tpu.memref_slice %arg2[%dma_wait3A_190, %dma_wait3A_191] : memref<1024x32768xf32, #tpu.memory_space<hbm>> -> memref<1024x32768xf32, #tpu.memory_space<hbm>>
    %dma_wait3A_193 = tpu.memref_slice %arg7[%dma_wait3A_182] : memref<3x!tpu.dma_semaphore, #tpu.memory_space<semaphore_mem>> -> memref<1x!tpu.dma_semaphore, #tpu.memory_space<semaphore_mem>>
    %dma_wait3A_194 = tpu.memref_squeeze %dma_wait3A_193 : memref<1x!tpu.dma_semaphore, #tpu.memory_space<semaphore_mem>> -> memref<!tpu.dma_semaphore, #tpu.memory_space<semaphore_mem>>
    tpu.wait_indirect_dma semaphore(%dma_wait3A_194 : memref<!tpu.dma_semaphore, #tpu.memory_space<semaphore_mem>>) src(%dma_wait3A_192 : memref<1024x32768xf32, #tpu.memory_space<hbm>>) dst(%dma_wait3A_186 : memref<1x32768xf32, #tpu.memory_space<vmem>>)
    %mul3A_195 = arith.constant 4 : i32
    %mul3A_196 = arith.muli %add3A, %mul3A_195 : i32
    %add3A_197 = arith.constant 3 : i32
    %add3A_198 = arith.addi %mul3A_196, %add3A_197 : i32
    %dma_start3A_199 = arith.constant 0 : i32
    %dma_start3A_200 = arith.constant 0 : i32
    %dma_start3A_201 = arith.constant 0 : i32
    %dma_start3A_202 = arith.constant 0 : i32
    %dma_start3A_203 = tpu.memref_slice %arg6[%dma_start3A_199, %dma_start3A_201, %dma_start3A_202] : memref<3x1x32768xf32, #tpu.memory_space<vmem>> -> memref<1x1x32768xf32, #tpu.memory_space<vmem>>
    %dma_start3A_204 = tpu.memref_squeeze %dma_start3A_203 : memref<1x1x32768xf32, #tpu.memory_space<vmem>> -> memref<1x32768xf32, #tpu.memory_space<vmem>>
    %dma_start3A_205 = arith.constant 0 : i32
    %dma_start3A_206 = tpu.memref_slice %arg4[%add3A_198, %dma_start3A_205] : memref<128x32768xf32, #tpu.memory_space<hbm>> -> memref<1x32768xf32, #tpu.memory_space<hbm>>
    %dma_start3A_207 = tpu.memref_slice %arg8[%dma_start3A_200] : memref<3x!tpu.dma_semaphore, #tpu.memory_space<semaphore_mem>> -> memref<1x!tpu.dma_semaphore, #tpu.memory_space<semaphore_mem>>
    %dma_start3A_208 = tpu.memref_squeeze %dma_start3A_207 : memref<1x!tpu.dma_semaphore, #tpu.memory_space<semaphore_mem>> -> memref<!tpu.dma_semaphore, #tpu.memory_space<semaphore_mem>>
    %dma_start3A_209 = arith.constant 0 : i32
    %dma_start3A_210 = tpu.memref_slice %arg4[%add3A_198, %dma_start3A_209] : memref<128x32768xf32, #tpu.memory_space<hbm>> -> memref<1x32768xf32, #tpu.memory_space<hbm>>
    %dma_start3A_211 = arith.constant 0 : i32
    %dma_start3A_212 = arith.constant 0 : i32
    %dma_start3A_213 = tpu.memref_slice %arg6[%dma_start3A_199, %dma_start3A_211, %dma_start3A_212] : memref<3x1x32768xf32, #tpu.memory_space<vmem>> -> memref<1x1x32768xf32, #tpu.memory_space<vmem>>
    %dma_start3A_214 = tpu.memref_squeeze %dma_start3A_213 : memref<1x1x32768xf32, #tpu.memory_space<vmem>> -> memref<1x32768xf32, #tpu.memory_space<vmem>>
    tpu.enqueue_dma source(%dma_start3A_214 : memref<1x32768xf32, #tpu.memory_space<vmem>>) target(%dma_start3A_210 : memref<1x32768xf32, #tpu.memory_space<hbm>>) target_semaphore(%dma_start3A_208 : memref<!tpu.dma_semaphore, #tpu.memory_space<semaphore_mem>>)
    %dma_wait3A_215 = arith.constant 1 : i32
    %dma_wait3A_216 = arith.constant 1 : i32
    %dma_wait3A_217 = arith.constant 0 : i32
    %dma_wait3A_218 = arith.constant 0 : i32
    %dma_wait3A_219 = tpu.memref_slice %arg6[%dma_wait3A_215, %dma_wait3A_217, %dma_wait3A_218] : memref<3x1x32768xf32, #tpu.memory_space<vmem>> -> memref<1x1x32768xf32, #tpu.memory_space<vmem>>
    %dma_wait3A_220 = tpu.memref_squeeze %dma_wait3A_219 : memref<1x1x32768xf32, #tpu.memory_space<vmem>> -> memref<1x32768xf32, #tpu.memory_space<vmem>>
    %dma_wait3A_221 = arith.constant 0 : i32
    %dma_wait3A_222 = tpu.memref_slice %arg4[%add3A_128, %dma_wait3A_221] : memref<128x32768xf32, #tpu.memory_space<hbm>> -> memref<1x32768xf32, #tpu.memory_space<hbm>>
    %dma_wait3A_223 = tpu.memref_slice %arg8[%dma_wait3A_216] : memref<3x!tpu.dma_semaphore, #tpu.memory_space<semaphore_mem>> -> memref<1x!tpu.dma_semaphore, #tpu.memory_space<semaphore_mem>>
    %dma_wait3A_224 = tpu.memref_squeeze %dma_wait3A_223 : memref<1x!tpu.dma_semaphore, #tpu.memory_space<semaphore_mem>> -> memref<!tpu.dma_semaphore, #tpu.memory_space<semaphore_mem>>
    %dma_wait3A_225 = arith.constant 0 : i32
    %dma_wait3A_226 = tpu.memref_slice %arg4[%add3A_128, %dma_wait3A_225] : memref<128x32768xf32, #tpu.memory_space<hbm>> -> memref<1x32768xf32, #tpu.memory_space<hbm>>
    %dma_wait3A_227 = arith.constant 0 : i32
    %dma_wait3A_228 = arith.constant 0 : i32
    %dma_wait3A_229 = tpu.memref_slice %arg6[%dma_wait3A_215, %dma_wait3A_227, %dma_wait3A_228] : memref<3x1x32768xf32, #tpu.memory_space<vmem>> -> memref<1x1x32768xf32, #tpu.memory_space<vmem>>
    %dma_wait3A_230 = tpu.memref_squeeze %dma_wait3A_229 : memref<1x1x32768xf32, #tpu.memory_space<vmem>> -> memref<1x32768xf32, #tpu.memory_space<vmem>>
    tpu.wait_dma2 semaphore(%dma_wait3A_224 : memref<!tpu.dma_semaphore, #tpu.memory_space<semaphore_mem>>) src(%dma_wait3A_230 : memref<1x32768xf32, #tpu.memory_space<vmem>>) dst(%dma_wait3A_226 : memref<1x32768xf32, #tpu.memory_space<hbm>>)
    %dma_wait3A_231 = arith.constant 2 : i32
    %dma_wait3A_232 = arith.constant 2 : i32
    %dma_wait3A_233 = arith.constant 0 : i32
    %dma_wait3A_234 = arith.constant 0 : i32
    %dma_wait3A_235 = tpu.memref_slice %arg6[%dma_wait3A_231, %dma_wait3A_233, %dma_wait3A_234] : memref<3x1x32768xf32, #tpu.memory_space<vmem>> -> memref<1x1x32768xf32, #tpu.memory_space<vmem>>
    %dma_wait3A_236 = tpu.memref_squeeze %dma_wait3A_235 : memref<1x1x32768xf32, #tpu.memory_space<vmem>> -> memref<1x32768xf32, #tpu.memory_space<vmem>>
    %dma_wait3A_237 = arith.constant 0 : i32
    %dma_wait3A_238 = tpu.memref_slice %arg4[%add3A_163, %dma_wait3A_237] : memref<128x32768xf32, #tpu.memory_space<hbm>> -> memref<1x32768xf32, #tpu.memory_space<hbm>>
    %dma_wait3A_239 = tpu.memref_slice %arg8[%dma_wait3A_232] : memref<3x!tpu.dma_semaphore, #tpu.memory_space<semaphore_mem>> -> memref<1x!tpu.dma_semaphore, #tpu.memory_space<semaphore_mem>>
    %dma_wait3A_240 = tpu.memref_squeeze %dma_wait3A_239 : memref<1x!tpu.dma_semaphore, #tpu.memory_space<semaphore_mem>> -> memref<!tpu.dma_semaphore, #tpu.memory_space<semaphore_mem>>
    %dma_wait3A_241 = arith.constant 0 : i32
    %dma_wait3A_242 = tpu.memref_slice %arg4[%add3A_163, %dma_wait3A_241] : memref<128x32768xf32, #tpu.memory_space<hbm>> -> memref<1x32768xf32, #tpu.memory_space<hbm>>
    %dma_wait3A_243 = arith.constant 0 : i32
    %dma_wait3A_244 = arith.constant 0 : i32
    %dma_wait3A_245 = tpu.memref_slice %arg6[%dma_wait3A_231, %dma_wait3A_243, %dma_wait3A_244] : memref<3x1x32768xf32, #tpu.memory_space<vmem>> -> memref<1x1x32768xf32, #tpu.memory_space<vmem>>
    %dma_wait3A_246 = tpu.memref_squeeze %dma_wait3A_245 : memref<1x1x32768xf32, #tpu.memory_space<vmem>> -> memref<1x32768xf32, #tpu.memory_space<vmem>>
    tpu.wait_dma2 semaphore(%dma_wait3A_240 : memref<!tpu.dma_semaphore, #tpu.memory_space<semaphore_mem>>) src(%dma_wait3A_246 : memref<1x32768xf32, #tpu.memory_space<vmem>>) dst(%dma_wait3A_242 : memref<1x32768xf32, #tpu.memory_space<hbm>>)
    %dma_wait3A_247 = arith.constant 0 : i32
    %dma_wait3A_248 = arith.constant 0 : i32
    %dma_wait3A_249 = arith.constant 0 : i32
    %dma_wait3A_250 = arith.constant 0 : i32
    %dma_wait3A_251 = tpu.memref_slice %arg6[%dma_wait3A_247, %dma_wait3A_249, %dma_wait3A_250] : memref<3x1x32768xf32, #tpu.memory_space<vmem>> -> memref<1x1x32768xf32, #tpu.memory_space<vmem>>
    %dma_wait3A_252 = tpu.memref_squeeze %dma_wait3A_251 : memref<1x1x32768xf32, #tpu.memory_space<vmem>> -> memref<1x32768xf32, #tpu.memory_space<vmem>>
    %dma_wait3A_253 = arith.constant 0 : i32
    %dma_wait3A_254 = tpu.memref_slice %arg4[%add3A_198, %dma_wait3A_253] : memref<128x32768xf32, #tpu.memory_space<hbm>> -> memref<1x32768xf32, #tpu.memory_space<hbm>>
    %dma_wait3A_255 = tpu.memref_slice %arg8[%dma_wait3A_248] : memref<3x!tpu.dma_semaphore, #tpu.memory_space<semaphore_mem>> -> memref<1x!tpu.dma_semaphore, #tpu.memory_space<semaphore_mem>>
    %dma_wait3A_256 = tpu.memref_squeeze %dma_wait3A_255 : memref<1x!tpu.dma_semaphore, #tpu.memory_space<semaphore_mem>> -> memref<!tpu.dma_semaphore, #tpu.memory_space<semaphore_mem>>
    %dma_wait3A_257 = arith.constant 0 : i32
    %dma_wait3A_258 = tpu.memref_slice %arg4[%add3A_198, %dma_wait3A_257] : memref<128x32768xf32, #tpu.memory_space<hbm>> -> memref<1x32768xf32, #tpu.memory_space<hbm>>
    %dma_wait3A_259 = arith.constant 0 : i32
    %dma_wait3A_260 = arith.constant 0 : i32
    %dma_wait3A_261 = tpu.memref_slice %arg6[%dma_wait3A_247, %dma_wait3A_259, %dma_wait3A_260] : memref<3x1x32768xf32, #tpu.memory_space<vmem>> -> memref<1x1x32768xf32, #tpu.memory_space<vmem>>
    %dma_wait3A_262 = tpu.memref_squeeze %dma_wait3A_261 : memref<1x1x32768xf32, #tpu.memory_space<vmem>> -> memref<1x32768xf32, #tpu.memory_space<vmem>>
    tpu.wait_dma2 semaphore(%dma_wait3A_256 : memref<!tpu.dma_semaphore, #tpu.memory_space<semaphore_mem>>) src(%dma_wait3A_262 : memref<1x32768xf32, #tpu.memory_space<vmem>>) dst(%dma_wait3A_258 : memref<1x32768xf32, #tpu.memory_space<hbm>>)
    return
  }
}

module attributes {stable_mosaic.version = 14 : i64} {
  func.func @_vote_body(%arg0: i32, %arg1: memref<8x8x32768xf32, #tpu.memory_space<vmem>>, %arg2: memref<1x1x8xi32, #tpu.memory_space<vmem>>) attributes {dimension_semantics = [#tpu.dimension_semantics<arbitrary>], iteration_bounds = array<i64: 16>, scalar_prefetch = 0 : i64, scratch_operands = 0 : i64, tpu.core_type = #tpu.core_type<tc>, window_params = [{transform_indices = @transform_0, window_bounds = array<i64: 8, 8, 32768>}, {transform_indices = @transform_1, window_bounds = array<i64: 1, 1, 8>}]} {
    %get3A = arith.constant 0 : index
    %get3A_0 = arith.constant 0 : index
    %get3A_1 = arith.constant 0 : index
    %get3A_2 = vector.load %arg1[%get3A, %get3A_0, %get3A_1] : memref<8x8x32768xf32, #tpu.memory_space<vmem>>, vector<8x8x32768xf32>
    %reduce_max3A = arith.constant dense<0xFF800000> : vector<8x8xf32>
    %reduce_max3A_3 = vector.multi_reduction <maximumf>, %get3A_2, %reduce_max3A [2] : vector<8x8x32768xf32> to vector<8x8xf32>
    %reduce_max3A_4 = arith.constant dense<0xFF800000> : vector<8xf32>
    %reduce_max3A_5 = vector.multi_reduction <maximumf>, %reduce_max3A_3, %reduce_max3A_4 [1] : vector<8x8xf32> to vector<8xf32>
    %broadcast_in_dim3A = vector.shape_cast %reduce_max3A_5 : vector<8xf32> to vector<8x1xf32>
    %eq3A = vector.broadcast %broadcast_in_dim3A : vector<8x1xf32> to vector<8x8xf32>
    %eq3A_6 = arith.cmpf oeq, %reduce_max3A_3, %eq3A : vector<8x8xf32>
    %convert_element_type3A = arith.extui %eq3A_6 : vector<8x8xi1> to vector<8x8xi32>
    %reduce_sum3A = arith.constant dense<0> : vector<8xi32>
    %reduce_sum3A_7 = vector.multi_reduction <add>, %convert_element_type3A, %reduce_sum3A [1] : vector<8x8xi32> to vector<8xi32>
    %iota3A = tpu.iota {dimensions = array<i32: 1>} : vector<8x8xi32>
    %jit3A = arith.constant 8 : i32
    %broadcast_in_dim3A_8 = vector.broadcast %jit3A : i32 to vector<8x8xi32>
    %select_n3A = arith.select %eq3A_6, %iota3A, %broadcast_in_dim3A_8 : vector<8x8xi1>, vector<8x8xi32>
    %reduce_min3A = arith.constant dense<2147483647> : vector<8xi32>
    %reduce_min3A_9 = vector.multi_reduction <minsi>, %select_n3A, %reduce_min3A [1] : vector<8x8xi32> to vector<8xi32>
    %iota3A_10 = tpu.iota {dimensions = array<i32: 1>} : vector<1x8xi32>
    %iota3A_11 = vector.shape_cast %iota3A_10 : vector<1x8xi32> to vector<8xi32>
    %slice3A = vector.extract_strided_slice %reduce_sum3A_7 {offsets = [0], sizes = [1], strides = [1]} : vector<8xi32> to vector<1xi32>
    %squeeze3A = vector.extract %slice3A[0] : i32 from vector<1xi32>
    %gt3A = arith.constant 1 : i32
    %gt3A_12 = arith.cmpi sgt, %squeeze3A, %gt3A : i32
    %slice3A_13 = vector.extract_strided_slice %reduce_min3A_9 {offsets = [0], sizes = [1], strides = [1]} : vector<8xi32> to vector<1xi32>
    %squeeze3A_14 = vector.extract %slice3A_13[0] : i32 from vector<1xi32>
    %convert_element_type3A_15 = arith.extui %gt3A_12 : i1 to i32
    %cond3A = arith.constant 0 : i32
    %cond3A_16 = arith.cmpi ne, %convert_element_type3A_15, %cond3A : i32
    %cond3A_17 = scf.if %cond3A_16 -> (i32) {
      %iota3A_139 = tpu.iota {dimensions = array<i32: 0>} : vector<8x32768xi32>
      %iota3A_140 = tpu.iota {dimensions = array<i32: 1>} : vector<8x32768xi32>
      %slice3A_141 = vector.extract_strided_slice %get3A_2 {offsets = [0, 0, 0], sizes = [1, 8, 32768], strides = [1, 1, 1]} : vector<8x8x32768xf32> to vector<1x8x32768xf32>
      %squeeze3A_142 = vector.shape_cast %slice3A_141 : vector<1x8x32768xf32> to vector<8x32768xf32>
      %slice3A_143 = vector.extract_strided_slice %broadcast_in_dim3A {offsets = [0, 0], sizes = [1, 1], strides = [1, 1]} : vector<8x1xf32> to vector<1x1xf32>
      %squeeze3A_144 = vector.extract %slice3A_143[0, 0] : f32 from vector<1x1xf32>
      %eq3A_145 = vector.broadcast %squeeze3A_144 : f32 to vector<8x32768xf32>
      %eq3A_146 = arith.cmpf oeq, %squeeze3A_142, %eq3A_145 : vector<8x32768xf32>
      %mul3A_147 = arith.constant 8 : i32
      %mul3A_148 = vector.broadcast %mul3A_147 : i32 to vector<8x32768xi32>
      %mul3A_149 = arith.muli %iota3A_140, %mul3A_148 : vector<8x32768xi32>
      %add3A_150 = arith.addi %mul3A_149, %iota3A_139 : vector<8x32768xi32>
      %jit3A_151 = arith.constant 2147483647 : i32
      %broadcast_in_dim3A_152 = vector.broadcast %jit3A_151 : i32 to vector<8x32768xi32>
      %select_n3A_153 = arith.select %eq3A_146, %add3A_150, %broadcast_in_dim3A_152 : vector<8x32768xi1>, vector<8x32768xi32>
      %reduce_min3A_154 = vector.shape_cast %select_n3A_153 : vector<8x32768xi32> to vector<1x8x32768xi32>
      %reduce_min3A_155 = arith.constant dense<2147483647> : vector<1xi32>
      %reduce_min3A_156 = vector.multi_reduction <minsi>, %reduce_min3A_154, %reduce_min3A_155 [1, 2] : vector<1x8x32768xi32> to vector<1xi32>
      %reduce_min3A_157 = vector.shape_cast %reduce_min3A_156 : vector<1xi32> to vector<1x1x1xi32>
      %reduce_min3A_158 = vector.extract %reduce_min3A_157[0, 0, 0] : i32 from vector<1x1x1xi32>
      %jit3A_159 = arith.constant 8 : i32
      %eq3A_160 = arith.constant 0 : i32
      %eq3A_161 = arith.cmpi eq, %jit3A_159, %eq3A_160 : i32
      %jit3A_162 = arith.constant 1 : i32
      %select_n3A_163 = arith.select %eq3A_161, %jit3A_162, %jit3A_159 : i32
      %rem3A = arith.remsi %reduce_min3A_158, %select_n3A_163 : i32
      %ne3A = arith.constant 0 : i32
      %ne3A_164 = arith.cmpi ne, %rem3A, %ne3A : i32
      %lt3A = arith.constant 0 : i32
      %lt3A_165 = arith.cmpi slt, %rem3A, %lt3A : i32
      %lt3A_166 = arith.constant 0 : i32
      %lt3A_167 = arith.cmpi slt, %select_n3A_163, %lt3A_166 : i32
      %ne3A_168 = arith.xori %lt3A_165, %lt3A_167 : i1
      %and3A = arith.andi %ne3A_168, %ne3A_164 : i1
      %add3A_169 = arith.addi %rem3A, %select_n3A_163 : i32
      %select_n3A_170 = arith.select %and3A, %add3A_169, %rem3A : i32
      scf.yield %select_n3A_170 : i32
    } else {
      scf.yield %squeeze3A_14 : i32
    }
    %eq3A_18 = arith.constant 0 : i32
    %eq3A_19 = vector.broadcast %eq3A_18 : i32 to vector<8xi32>
    %eq3A_20 = arith.cmpi eq, %iota3A_11, %eq3A_19 : vector<8xi32>
    %broadcast_in_dim3A_21 = vector.broadcast %cond3A_17 : i32 to vector<8xi32>
    %select_n3A_22 = arith.select %eq3A_20, %broadcast_in_dim3A_21, %reduce_min3A_9 : vector<8xi1>, vector<8xi32>
    %slice3A_23 = vector.extract_strided_slice %reduce_sum3A_7 {offsets = [1], sizes = [1], strides = [1]} : vector<8xi32> to vector<1xi32>
    %squeeze3A_24 = vector.extract %slice3A_23[0] : i32 from vector<1xi32>
    %gt3A_25 = arith.constant 1 : i32
    %gt3A_26 = arith.cmpi sgt, %squeeze3A_24, %gt3A_25 : i32
    %slice3A_27 = vector.extract_strided_slice %reduce_min3A_9 {offsets = [1], sizes = [1], strides = [1]} : vector<8xi32> to vector<1xi32>
    %squeeze3A_28 = vector.extract %slice3A_27[0] : i32 from vector<1xi32>
    %convert_element_type3A_29 = arith.extui %gt3A_26 : i1 to i32
    %cond3A_30 = arith.constant 0 : i32
    %cond3A_31 = arith.cmpi ne, %convert_element_type3A_29, %cond3A_30 : i32
    %cond3A_32 = scf.if %cond3A_31 -> (i32) {
      %iota3A_139 = tpu.iota {dimensions = array<i32: 0>} : vector<8x32768xi32>
      %iota3A_140 = tpu.iota {dimensions = array<i32: 1>} : vector<8x32768xi32>
      %slice3A_141 = vector.extract_strided_slice %get3A_2 {offsets = [1, 0, 0], sizes = [1, 8, 32768], strides = [1, 1, 1]} : vector<8x8x32768xf32> to vector<1x8x32768xf32>
      %squeeze3A_142 = vector.shape_cast %slice3A_141 : vector<1x8x32768xf32> to vector<8x32768xf32>
      %slice3A_143 = vector.extract_strided_slice %broadcast_in_dim3A {offsets = [1, 0], sizes = [1, 1], strides = [1, 1]} : vector<8x1xf32> to vector<1x1xf32>
      %squeeze3A_144 = vector.extract %slice3A_143[0, 0] : f32 from vector<1x1xf32>
      %eq3A_145 = vector.broadcast %squeeze3A_144 : f32 to vector<8x32768xf32>
      %eq3A_146 = arith.cmpf oeq, %squeeze3A_142, %eq3A_145 : vector<8x32768xf32>
      %mul3A_147 = arith.constant 8 : i32
      %mul3A_148 = vector.broadcast %mul3A_147 : i32 to vector<8x32768xi32>
      %mul3A_149 = arith.muli %iota3A_140, %mul3A_148 : vector<8x32768xi32>
      %add3A_150 = arith.addi %mul3A_149, %iota3A_139 : vector<8x32768xi32>
      %jit3A_151 = arith.constant 2147483647 : i32
      %broadcast_in_dim3A_152 = vector.broadcast %jit3A_151 : i32 to vector<8x32768xi32>
      %select_n3A_153 = arith.select %eq3A_146, %add3A_150, %broadcast_in_dim3A_152 : vector<8x32768xi1>, vector<8x32768xi32>
      %reduce_min3A_154 = vector.shape_cast %select_n3A_153 : vector<8x32768xi32> to vector<1x8x32768xi32>
      %reduce_min3A_155 = arith.constant dense<2147483647> : vector<1xi32>
      %reduce_min3A_156 = vector.multi_reduction <minsi>, %reduce_min3A_154, %reduce_min3A_155 [1, 2] : vector<1x8x32768xi32> to vector<1xi32>
      %reduce_min3A_157 = vector.shape_cast %reduce_min3A_156 : vector<1xi32> to vector<1x1x1xi32>
      %reduce_min3A_158 = vector.extract %reduce_min3A_157[0, 0, 0] : i32 from vector<1x1x1xi32>
      %jit3A_159 = arith.constant 8 : i32
      %eq3A_160 = arith.constant 0 : i32
      %eq3A_161 = arith.cmpi eq, %jit3A_159, %eq3A_160 : i32
      %jit3A_162 = arith.constant 1 : i32
      %select_n3A_163 = arith.select %eq3A_161, %jit3A_162, %jit3A_159 : i32
      %rem3A = arith.remsi %reduce_min3A_158, %select_n3A_163 : i32
      %ne3A = arith.constant 0 : i32
      %ne3A_164 = arith.cmpi ne, %rem3A, %ne3A : i32
      %lt3A = arith.constant 0 : i32
      %lt3A_165 = arith.cmpi slt, %rem3A, %lt3A : i32
      %lt3A_166 = arith.constant 0 : i32
      %lt3A_167 = arith.cmpi slt, %select_n3A_163, %lt3A_166 : i32
      %ne3A_168 = arith.xori %lt3A_165, %lt3A_167 : i1
      %and3A = arith.andi %ne3A_168, %ne3A_164 : i1
      %add3A_169 = arith.addi %rem3A, %select_n3A_163 : i32
      %select_n3A_170 = arith.select %and3A, %add3A_169, %rem3A : i32
      scf.yield %select_n3A_170 : i32
    } else {
      scf.yield %squeeze3A_28 : i32
    }
    %eq3A_33 = arith.constant 1 : i32
    %eq3A_34 = vector.broadcast %eq3A_33 : i32 to vector<8xi32>
    %eq3A_35 = arith.cmpi eq, %iota3A_11, %eq3A_34 : vector<8xi32>
    %broadcast_in_dim3A_36 = vector.broadcast %cond3A_32 : i32 to vector<8xi32>
    %select_n3A_37 = arith.select %eq3A_35, %broadcast_in_dim3A_36, %select_n3A_22 : vector<8xi1>, vector<8xi32>
    %slice3A_38 = vector.extract_strided_slice %reduce_sum3A_7 {offsets = [2], sizes = [1], strides = [1]} : vector<8xi32> to vector<1xi32>
    %squeeze3A_39 = vector.extract %slice3A_38[0] : i32 from vector<1xi32>
    %gt3A_40 = arith.constant 1 : i32
    %gt3A_41 = arith.cmpi sgt, %squeeze3A_39, %gt3A_40 : i32
    %slice3A_42 = vector.extract_strided_slice %reduce_min3A_9 {offsets = [2], sizes = [1], strides = [1]} : vector<8xi32> to vector<1xi32>
    %squeeze3A_43 = vector.extract %slice3A_42[0] : i32 from vector<1xi32>
    %convert_element_type3A_44 = arith.extui %gt3A_41 : i1 to i32
    %cond3A_45 = arith.constant 0 : i32
    %cond3A_46 = arith.cmpi ne, %convert_element_type3A_44, %cond3A_45 : i32
    %cond3A_47 = scf.if %cond3A_46 -> (i32) {
      %iota3A_139 = tpu.iota {dimensions = array<i32: 0>} : vector<8x32768xi32>
      %iota3A_140 = tpu.iota {dimensions = array<i32: 1>} : vector<8x32768xi32>
      %slice3A_141 = vector.extract_strided_slice %get3A_2 {offsets = [2, 0, 0], sizes = [1, 8, 32768], strides = [1, 1, 1]} : vector<8x8x32768xf32> to vector<1x8x32768xf32>
      %squeeze3A_142 = vector.shape_cast %slice3A_141 : vector<1x8x32768xf32> to vector<8x32768xf32>
      %slice3A_143 = vector.extract_strided_slice %broadcast_in_dim3A {offsets = [2, 0], sizes = [1, 1], strides = [1, 1]} : vector<8x1xf32> to vector<1x1xf32>
      %squeeze3A_144 = vector.extract %slice3A_143[0, 0] : f32 from vector<1x1xf32>
      %eq3A_145 = vector.broadcast %squeeze3A_144 : f32 to vector<8x32768xf32>
      %eq3A_146 = arith.cmpf oeq, %squeeze3A_142, %eq3A_145 : vector<8x32768xf32>
      %mul3A_147 = arith.constant 8 : i32
      %mul3A_148 = vector.broadcast %mul3A_147 : i32 to vector<8x32768xi32>
      %mul3A_149 = arith.muli %iota3A_140, %mul3A_148 : vector<8x32768xi32>
      %add3A_150 = arith.addi %mul3A_149, %iota3A_139 : vector<8x32768xi32>
      %jit3A_151 = arith.constant 2147483647 : i32
      %broadcast_in_dim3A_152 = vector.broadcast %jit3A_151 : i32 to vector<8x32768xi32>
      %select_n3A_153 = arith.select %eq3A_146, %add3A_150, %broadcast_in_dim3A_152 : vector<8x32768xi1>, vector<8x32768xi32>
      %reduce_min3A_154 = vector.shape_cast %select_n3A_153 : vector<8x32768xi32> to vector<1x8x32768xi32>
      %reduce_min3A_155 = arith.constant dense<2147483647> : vector<1xi32>
      %reduce_min3A_156 = vector.multi_reduction <minsi>, %reduce_min3A_154, %reduce_min3A_155 [1, 2] : vector<1x8x32768xi32> to vector<1xi32>
      %reduce_min3A_157 = vector.shape_cast %reduce_min3A_156 : vector<1xi32> to vector<1x1x1xi32>
      %reduce_min3A_158 = vector.extract %reduce_min3A_157[0, 0, 0] : i32 from vector<1x1x1xi32>
      %jit3A_159 = arith.constant 8 : i32
      %eq3A_160 = arith.constant 0 : i32
      %eq3A_161 = arith.cmpi eq, %jit3A_159, %eq3A_160 : i32
      %jit3A_162 = arith.constant 1 : i32
      %select_n3A_163 = arith.select %eq3A_161, %jit3A_162, %jit3A_159 : i32
      %rem3A = arith.remsi %reduce_min3A_158, %select_n3A_163 : i32
      %ne3A = arith.constant 0 : i32
      %ne3A_164 = arith.cmpi ne, %rem3A, %ne3A : i32
      %lt3A = arith.constant 0 : i32
      %lt3A_165 = arith.cmpi slt, %rem3A, %lt3A : i32
      %lt3A_166 = arith.constant 0 : i32
      %lt3A_167 = arith.cmpi slt, %select_n3A_163, %lt3A_166 : i32
      %ne3A_168 = arith.xori %lt3A_165, %lt3A_167 : i1
      %and3A = arith.andi %ne3A_168, %ne3A_164 : i1
      %add3A_169 = arith.addi %rem3A, %select_n3A_163 : i32
      %select_n3A_170 = arith.select %and3A, %add3A_169, %rem3A : i32
      scf.yield %select_n3A_170 : i32
    } else {
      scf.yield %squeeze3A_43 : i32
    }
    %eq3A_48 = arith.constant 2 : i32
    %eq3A_49 = vector.broadcast %eq3A_48 : i32 to vector<8xi32>
    %eq3A_50 = arith.cmpi eq, %iota3A_11, %eq3A_49 : vector<8xi32>
    %broadcast_in_dim3A_51 = vector.broadcast %cond3A_47 : i32 to vector<8xi32>
    %select_n3A_52 = arith.select %eq3A_50, %broadcast_in_dim3A_51, %select_n3A_37 : vector<8xi1>, vector<8xi32>
    %slice3A_53 = vector.extract_strided_slice %reduce_sum3A_7 {offsets = [3], sizes = [1], strides = [1]} : vector<8xi32> to vector<1xi32>
    %squeeze3A_54 = vector.extract %slice3A_53[0] : i32 from vector<1xi32>
    %gt3A_55 = arith.constant 1 : i32
    %gt3A_56 = arith.cmpi sgt, %squeeze3A_54, %gt3A_55 : i32
    %slice3A_57 = vector.extract_strided_slice %reduce_min3A_9 {offsets = [3], sizes = [1], strides = [1]} : vector<8xi32> to vector<1xi32>
    %squeeze3A_58 = vector.extract %slice3A_57[0] : i32 from vector<1xi32>
    %convert_element_type3A_59 = arith.extui %gt3A_56 : i1 to i32
    %cond3A_60 = arith.constant 0 : i32
    %cond3A_61 = arith.cmpi ne, %convert_element_type3A_59, %cond3A_60 : i32
    %cond3A_62 = scf.if %cond3A_61 -> (i32) {
      %iota3A_139 = tpu.iota {dimensions = array<i32: 0>} : vector<8x32768xi32>
      %iota3A_140 = tpu.iota {dimensions = array<i32: 1>} : vector<8x32768xi32>
      %slice3A_141 = vector.extract_strided_slice %get3A_2 {offsets = [3, 0, 0], sizes = [1, 8, 32768], strides = [1, 1, 1]} : vector<8x8x32768xf32> to vector<1x8x32768xf32>
      %squeeze3A_142 = vector.shape_cast %slice3A_141 : vector<1x8x32768xf32> to vector<8x32768xf32>
      %slice3A_143 = vector.extract_strided_slice %broadcast_in_dim3A {offsets = [3, 0], sizes = [1, 1], strides = [1, 1]} : vector<8x1xf32> to vector<1x1xf32>
      %squeeze3A_144 = vector.extract %slice3A_143[0, 0] : f32 from vector<1x1xf32>
      %eq3A_145 = vector.broadcast %squeeze3A_144 : f32 to vector<8x32768xf32>
      %eq3A_146 = arith.cmpf oeq, %squeeze3A_142, %eq3A_145 : vector<8x32768xf32>
      %mul3A_147 = arith.constant 8 : i32
      %mul3A_148 = vector.broadcast %mul3A_147 : i32 to vector<8x32768xi32>
      %mul3A_149 = arith.muli %iota3A_140, %mul3A_148 : vector<8x32768xi32>
      %add3A_150 = arith.addi %mul3A_149, %iota3A_139 : vector<8x32768xi32>
      %jit3A_151 = arith.constant 2147483647 : i32
      %broadcast_in_dim3A_152 = vector.broadcast %jit3A_151 : i32 to vector<8x32768xi32>
      %select_n3A_153 = arith.select %eq3A_146, %add3A_150, %broadcast_in_dim3A_152 : vector<8x32768xi1>, vector<8x32768xi32>
      %reduce_min3A_154 = vector.shape_cast %select_n3A_153 : vector<8x32768xi32> to vector<1x8x32768xi32>
      %reduce_min3A_155 = arith.constant dense<2147483647> : vector<1xi32>
      %reduce_min3A_156 = vector.multi_reduction <minsi>, %reduce_min3A_154, %reduce_min3A_155 [1, 2] : vector<1x8x32768xi32> to vector<1xi32>
      %reduce_min3A_157 = vector.shape_cast %reduce_min3A_156 : vector<1xi32> to vector<1x1x1xi32>
      %reduce_min3A_158 = vector.extract %reduce_min3A_157[0, 0, 0] : i32 from vector<1x1x1xi32>
      %jit3A_159 = arith.constant 8 : i32
      %eq3A_160 = arith.constant 0 : i32
      %eq3A_161 = arith.cmpi eq, %jit3A_159, %eq3A_160 : i32
      %jit3A_162 = arith.constant 1 : i32
      %select_n3A_163 = arith.select %eq3A_161, %jit3A_162, %jit3A_159 : i32
      %rem3A = arith.remsi %reduce_min3A_158, %select_n3A_163 : i32
      %ne3A = arith.constant 0 : i32
      %ne3A_164 = arith.cmpi ne, %rem3A, %ne3A : i32
      %lt3A = arith.constant 0 : i32
      %lt3A_165 = arith.cmpi slt, %rem3A, %lt3A : i32
      %lt3A_166 = arith.constant 0 : i32
      %lt3A_167 = arith.cmpi slt, %select_n3A_163, %lt3A_166 : i32
      %ne3A_168 = arith.xori %lt3A_165, %lt3A_167 : i1
      %and3A = arith.andi %ne3A_168, %ne3A_164 : i1
      %add3A_169 = arith.addi %rem3A, %select_n3A_163 : i32
      %select_n3A_170 = arith.select %and3A, %add3A_169, %rem3A : i32
      scf.yield %select_n3A_170 : i32
    } else {
      scf.yield %squeeze3A_58 : i32
    }
    %eq3A_63 = arith.constant 3 : i32
    %eq3A_64 = vector.broadcast %eq3A_63 : i32 to vector<8xi32>
    %eq3A_65 = arith.cmpi eq, %iota3A_11, %eq3A_64 : vector<8xi32>
    %broadcast_in_dim3A_66 = vector.broadcast %cond3A_62 : i32 to vector<8xi32>
    %select_n3A_67 = arith.select %eq3A_65, %broadcast_in_dim3A_66, %select_n3A_52 : vector<8xi1>, vector<8xi32>
    %slice3A_68 = vector.extract_strided_slice %reduce_sum3A_7 {offsets = [4], sizes = [1], strides = [1]} : vector<8xi32> to vector<1xi32>
    %squeeze3A_69 = vector.extract %slice3A_68[0] : i32 from vector<1xi32>
    %gt3A_70 = arith.constant 1 : i32
    %gt3A_71 = arith.cmpi sgt, %squeeze3A_69, %gt3A_70 : i32
    %slice3A_72 = vector.extract_strided_slice %reduce_min3A_9 {offsets = [4], sizes = [1], strides = [1]} : vector<8xi32> to vector<1xi32>
    %squeeze3A_73 = vector.extract %slice3A_72[0] : i32 from vector<1xi32>
    %convert_element_type3A_74 = arith.extui %gt3A_71 : i1 to i32
    %cond3A_75 = arith.constant 0 : i32
    %cond3A_76 = arith.cmpi ne, %convert_element_type3A_74, %cond3A_75 : i32
    %cond3A_77 = scf.if %cond3A_76 -> (i32) {
      %iota3A_139 = tpu.iota {dimensions = array<i32: 0>} : vector<8x32768xi32>
      %iota3A_140 = tpu.iota {dimensions = array<i32: 1>} : vector<8x32768xi32>
      %slice3A_141 = vector.extract_strided_slice %get3A_2 {offsets = [4, 0, 0], sizes = [1, 8, 32768], strides = [1, 1, 1]} : vector<8x8x32768xf32> to vector<1x8x32768xf32>
      %squeeze3A_142 = vector.shape_cast %slice3A_141 : vector<1x8x32768xf32> to vector<8x32768xf32>
      %slice3A_143 = vector.extract_strided_slice %broadcast_in_dim3A {offsets = [4, 0], sizes = [1, 1], strides = [1, 1]} : vector<8x1xf32> to vector<1x1xf32>
      %squeeze3A_144 = vector.extract %slice3A_143[0, 0] : f32 from vector<1x1xf32>
      %eq3A_145 = vector.broadcast %squeeze3A_144 : f32 to vector<8x32768xf32>
      %eq3A_146 = arith.cmpf oeq, %squeeze3A_142, %eq3A_145 : vector<8x32768xf32>
      %mul3A_147 = arith.constant 8 : i32
      %mul3A_148 = vector.broadcast %mul3A_147 : i32 to vector<8x32768xi32>
      %mul3A_149 = arith.muli %iota3A_140, %mul3A_148 : vector<8x32768xi32>
      %add3A_150 = arith.addi %mul3A_149, %iota3A_139 : vector<8x32768xi32>
      %jit3A_151 = arith.constant 2147483647 : i32
      %broadcast_in_dim3A_152 = vector.broadcast %jit3A_151 : i32 to vector<8x32768xi32>
      %select_n3A_153 = arith.select %eq3A_146, %add3A_150, %broadcast_in_dim3A_152 : vector<8x32768xi1>, vector<8x32768xi32>
      %reduce_min3A_154 = vector.shape_cast %select_n3A_153 : vector<8x32768xi32> to vector<1x8x32768xi32>
      %reduce_min3A_155 = arith.constant dense<2147483647> : vector<1xi32>
      %reduce_min3A_156 = vector.multi_reduction <minsi>, %reduce_min3A_154, %reduce_min3A_155 [1, 2] : vector<1x8x32768xi32> to vector<1xi32>
      %reduce_min3A_157 = vector.shape_cast %reduce_min3A_156 : vector<1xi32> to vector<1x1x1xi32>
      %reduce_min3A_158 = vector.extract %reduce_min3A_157[0, 0, 0] : i32 from vector<1x1x1xi32>
      %jit3A_159 = arith.constant 8 : i32
      %eq3A_160 = arith.constant 0 : i32
      %eq3A_161 = arith.cmpi eq, %jit3A_159, %eq3A_160 : i32
      %jit3A_162 = arith.constant 1 : i32
      %select_n3A_163 = arith.select %eq3A_161, %jit3A_162, %jit3A_159 : i32
      %rem3A = arith.remsi %reduce_min3A_158, %select_n3A_163 : i32
      %ne3A = arith.constant 0 : i32
      %ne3A_164 = arith.cmpi ne, %rem3A, %ne3A : i32
      %lt3A = arith.constant 0 : i32
      %lt3A_165 = arith.cmpi slt, %rem3A, %lt3A : i32
      %lt3A_166 = arith.constant 0 : i32
      %lt3A_167 = arith.cmpi slt, %select_n3A_163, %lt3A_166 : i32
      %ne3A_168 = arith.xori %lt3A_165, %lt3A_167 : i1
      %and3A = arith.andi %ne3A_168, %ne3A_164 : i1
      %add3A_169 = arith.addi %rem3A, %select_n3A_163 : i32
      %select_n3A_170 = arith.select %and3A, %add3A_169, %rem3A : i32
      scf.yield %select_n3A_170 : i32
    } else {
      scf.yield %squeeze3A_73 : i32
    }
    %eq3A_78 = arith.constant 4 : i32
    %eq3A_79 = vector.broadcast %eq3A_78 : i32 to vector<8xi32>
    %eq3A_80 = arith.cmpi eq, %iota3A_11, %eq3A_79 : vector<8xi32>
    %broadcast_in_dim3A_81 = vector.broadcast %cond3A_77 : i32 to vector<8xi32>
    %select_n3A_82 = arith.select %eq3A_80, %broadcast_in_dim3A_81, %select_n3A_67 : vector<8xi1>, vector<8xi32>
    %slice3A_83 = vector.extract_strided_slice %reduce_sum3A_7 {offsets = [5], sizes = [1], strides = [1]} : vector<8xi32> to vector<1xi32>
    %squeeze3A_84 = vector.extract %slice3A_83[0] : i32 from vector<1xi32>
    %gt3A_85 = arith.constant 1 : i32
    %gt3A_86 = arith.cmpi sgt, %squeeze3A_84, %gt3A_85 : i32
    %slice3A_87 = vector.extract_strided_slice %reduce_min3A_9 {offsets = [5], sizes = [1], strides = [1]} : vector<8xi32> to vector<1xi32>
    %squeeze3A_88 = vector.extract %slice3A_87[0] : i32 from vector<1xi32>
    %convert_element_type3A_89 = arith.extui %gt3A_86 : i1 to i32
    %cond3A_90 = arith.constant 0 : i32
    %cond3A_91 = arith.cmpi ne, %convert_element_type3A_89, %cond3A_90 : i32
    %cond3A_92 = scf.if %cond3A_91 -> (i32) {
      %iota3A_139 = tpu.iota {dimensions = array<i32: 0>} : vector<8x32768xi32>
      %iota3A_140 = tpu.iota {dimensions = array<i32: 1>} : vector<8x32768xi32>
      %slice3A_141 = vector.extract_strided_slice %get3A_2 {offsets = [5, 0, 0], sizes = [1, 8, 32768], strides = [1, 1, 1]} : vector<8x8x32768xf32> to vector<1x8x32768xf32>
      %squeeze3A_142 = vector.shape_cast %slice3A_141 : vector<1x8x32768xf32> to vector<8x32768xf32>
      %slice3A_143 = vector.extract_strided_slice %broadcast_in_dim3A {offsets = [5, 0], sizes = [1, 1], strides = [1, 1]} : vector<8x1xf32> to vector<1x1xf32>
      %squeeze3A_144 = vector.extract %slice3A_143[0, 0] : f32 from vector<1x1xf32>
      %eq3A_145 = vector.broadcast %squeeze3A_144 : f32 to vector<8x32768xf32>
      %eq3A_146 = arith.cmpf oeq, %squeeze3A_142, %eq3A_145 : vector<8x32768xf32>
      %mul3A_147 = arith.constant 8 : i32
      %mul3A_148 = vector.broadcast %mul3A_147 : i32 to vector<8x32768xi32>
      %mul3A_149 = arith.muli %iota3A_140, %mul3A_148 : vector<8x32768xi32>
      %add3A_150 = arith.addi %mul3A_149, %iota3A_139 : vector<8x32768xi32>
      %jit3A_151 = arith.constant 2147483647 : i32
      %broadcast_in_dim3A_152 = vector.broadcast %jit3A_151 : i32 to vector<8x32768xi32>
      %select_n3A_153 = arith.select %eq3A_146, %add3A_150, %broadcast_in_dim3A_152 : vector<8x32768xi1>, vector<8x32768xi32>
      %reduce_min3A_154 = vector.shape_cast %select_n3A_153 : vector<8x32768xi32> to vector<1x8x32768xi32>
      %reduce_min3A_155 = arith.constant dense<2147483647> : vector<1xi32>
      %reduce_min3A_156 = vector.multi_reduction <minsi>, %reduce_min3A_154, %reduce_min3A_155 [1, 2] : vector<1x8x32768xi32> to vector<1xi32>
      %reduce_min3A_157 = vector.shape_cast %reduce_min3A_156 : vector<1xi32> to vector<1x1x1xi32>
      %reduce_min3A_158 = vector.extract %reduce_min3A_157[0, 0, 0] : i32 from vector<1x1x1xi32>
      %jit3A_159 = arith.constant 8 : i32
      %eq3A_160 = arith.constant 0 : i32
      %eq3A_161 = arith.cmpi eq, %jit3A_159, %eq3A_160 : i32
      %jit3A_162 = arith.constant 1 : i32
      %select_n3A_163 = arith.select %eq3A_161, %jit3A_162, %jit3A_159 : i32
      %rem3A = arith.remsi %reduce_min3A_158, %select_n3A_163 : i32
      %ne3A = arith.constant 0 : i32
      %ne3A_164 = arith.cmpi ne, %rem3A, %ne3A : i32
      %lt3A = arith.constant 0 : i32
      %lt3A_165 = arith.cmpi slt, %rem3A, %lt3A : i32
      %lt3A_166 = arith.constant 0 : i32
      %lt3A_167 = arith.cmpi slt, %select_n3A_163, %lt3A_166 : i32
      %ne3A_168 = arith.xori %lt3A_165, %lt3A_167 : i1
      %and3A = arith.andi %ne3A_168, %ne3A_164 : i1
      %add3A_169 = arith.addi %rem3A, %select_n3A_163 : i32
      %select_n3A_170 = arith.select %and3A, %add3A_169, %rem3A : i32
      scf.yield %select_n3A_170 : i32
    } else {
      scf.yield %squeeze3A_88 : i32
    }
    %eq3A_93 = arith.constant 5 : i32
    %eq3A_94 = vector.broadcast %eq3A_93 : i32 to vector<8xi32>
    %eq3A_95 = arith.cmpi eq, %iota3A_11, %eq3A_94 : vector<8xi32>
    %broadcast_in_dim3A_96 = vector.broadcast %cond3A_92 : i32 to vector<8xi32>
    %select_n3A_97 = arith.select %eq3A_95, %broadcast_in_dim3A_96, %select_n3A_82 : vector<8xi1>, vector<8xi32>
    %slice3A_98 = vector.extract_strided_slice %reduce_sum3A_7 {offsets = [6], sizes = [1], strides = [1]} : vector<8xi32> to vector<1xi32>
    %squeeze3A_99 = vector.extract %slice3A_98[0] : i32 from vector<1xi32>
    %gt3A_100 = arith.constant 1 : i32
    %gt3A_101 = arith.cmpi sgt, %squeeze3A_99, %gt3A_100 : i32
    %slice3A_102 = vector.extract_strided_slice %reduce_min3A_9 {offsets = [6], sizes = [1], strides = [1]} : vector<8xi32> to vector<1xi32>
    %squeeze3A_103 = vector.extract %slice3A_102[0] : i32 from vector<1xi32>
    %convert_element_type3A_104 = arith.extui %gt3A_101 : i1 to i32
    %cond3A_105 = arith.constant 0 : i32
    %cond3A_106 = arith.cmpi ne, %convert_element_type3A_104, %cond3A_105 : i32
    %cond3A_107 = scf.if %cond3A_106 -> (i32) {
      %iota3A_139 = tpu.iota {dimensions = array<i32: 0>} : vector<8x32768xi32>
      %iota3A_140 = tpu.iota {dimensions = array<i32: 1>} : vector<8x32768xi32>
      %slice3A_141 = vector.extract_strided_slice %get3A_2 {offsets = [6, 0, 0], sizes = [1, 8, 32768], strides = [1, 1, 1]} : vector<8x8x32768xf32> to vector<1x8x32768xf32>
      %squeeze3A_142 = vector.shape_cast %slice3A_141 : vector<1x8x32768xf32> to vector<8x32768xf32>
      %slice3A_143 = vector.extract_strided_slice %broadcast_in_dim3A {offsets = [6, 0], sizes = [1, 1], strides = [1, 1]} : vector<8x1xf32> to vector<1x1xf32>
      %squeeze3A_144 = vector.extract %slice3A_143[0, 0] : f32 from vector<1x1xf32>
      %eq3A_145 = vector.broadcast %squeeze3A_144 : f32 to vector<8x32768xf32>
      %eq3A_146 = arith.cmpf oeq, %squeeze3A_142, %eq3A_145 : vector<8x32768xf32>
      %mul3A_147 = arith.constant 8 : i32
      %mul3A_148 = vector.broadcast %mul3A_147 : i32 to vector<8x32768xi32>
      %mul3A_149 = arith.muli %iota3A_140, %mul3A_148 : vector<8x32768xi32>
      %add3A_150 = arith.addi %mul3A_149, %iota3A_139 : vector<8x32768xi32>
      %jit3A_151 = arith.constant 2147483647 : i32
      %broadcast_in_dim3A_152 = vector.broadcast %jit3A_151 : i32 to vector<8x32768xi32>
      %select_n3A_153 = arith.select %eq3A_146, %add3A_150, %broadcast_in_dim3A_152 : vector<8x32768xi1>, vector<8x32768xi32>
      %reduce_min3A_154 = vector.shape_cast %select_n3A_153 : vector<8x32768xi32> to vector<1x8x32768xi32>
      %reduce_min3A_155 = arith.constant dense<2147483647> : vector<1xi32>
      %reduce_min3A_156 = vector.multi_reduction <minsi>, %reduce_min3A_154, %reduce_min3A_155 [1, 2] : vector<1x8x32768xi32> to vector<1xi32>
      %reduce_min3A_157 = vector.shape_cast %reduce_min3A_156 : vector<1xi32> to vector<1x1x1xi32>
      %reduce_min3A_158 = vector.extract %reduce_min3A_157[0, 0, 0] : i32 from vector<1x1x1xi32>
      %jit3A_159 = arith.constant 8 : i32
      %eq3A_160 = arith.constant 0 : i32
      %eq3A_161 = arith.cmpi eq, %jit3A_159, %eq3A_160 : i32
      %jit3A_162 = arith.constant 1 : i32
      %select_n3A_163 = arith.select %eq3A_161, %jit3A_162, %jit3A_159 : i32
      %rem3A = arith.remsi %reduce_min3A_158, %select_n3A_163 : i32
      %ne3A = arith.constant 0 : i32
      %ne3A_164 = arith.cmpi ne, %rem3A, %ne3A : i32
      %lt3A = arith.constant 0 : i32
      %lt3A_165 = arith.cmpi slt, %rem3A, %lt3A : i32
      %lt3A_166 = arith.constant 0 : i32
      %lt3A_167 = arith.cmpi slt, %select_n3A_163, %lt3A_166 : i32
      %ne3A_168 = arith.xori %lt3A_165, %lt3A_167 : i1
      %and3A = arith.andi %ne3A_168, %ne3A_164 : i1
      %add3A_169 = arith.addi %rem3A, %select_n3A_163 : i32
      %select_n3A_170 = arith.select %and3A, %add3A_169, %rem3A : i32
      scf.yield %select_n3A_170 : i32
    } else {
      scf.yield %squeeze3A_103 : i32
    }
    %eq3A_108 = arith.constant 6 : i32
    %eq3A_109 = vector.broadcast %eq3A_108 : i32 to vector<8xi32>
    %eq3A_110 = arith.cmpi eq, %iota3A_11, %eq3A_109 : vector<8xi32>
    %broadcast_in_dim3A_111 = vector.broadcast %cond3A_107 : i32 to vector<8xi32>
    %select_n3A_112 = arith.select %eq3A_110, %broadcast_in_dim3A_111, %select_n3A_97 : vector<8xi1>, vector<8xi32>
    %slice3A_113 = vector.extract_strided_slice %reduce_sum3A_7 {offsets = [7], sizes = [1], strides = [1]} : vector<8xi32> to vector<1xi32>
    %squeeze3A_114 = vector.extract %slice3A_113[0] : i32 from vector<1xi32>
    %gt3A_115 = arith.constant 1 : i32
    %gt3A_116 = arith.cmpi sgt, %squeeze3A_114, %gt3A_115 : i32
    %slice3A_117 = vector.extract_strided_slice %reduce_min3A_9 {offsets = [7], sizes = [1], strides = [1]} : vector<8xi32> to vector<1xi32>
    %squeeze3A_118 = vector.extract %slice3A_117[0] : i32 from vector<1xi32>
    %convert_element_type3A_119 = arith.extui %gt3A_116 : i1 to i32
    %cond3A_120 = arith.constant 0 : i32
    %cond3A_121 = arith.cmpi ne, %convert_element_type3A_119, %cond3A_120 : i32
    %cond3A_122 = scf.if %cond3A_121 -> (i32) {
      %iota3A_139 = tpu.iota {dimensions = array<i32: 0>} : vector<8x32768xi32>
      %iota3A_140 = tpu.iota {dimensions = array<i32: 1>} : vector<8x32768xi32>
      %slice3A_141 = vector.extract_strided_slice %get3A_2 {offsets = [7, 0, 0], sizes = [1, 8, 32768], strides = [1, 1, 1]} : vector<8x8x32768xf32> to vector<1x8x32768xf32>
      %squeeze3A_142 = vector.shape_cast %slice3A_141 : vector<1x8x32768xf32> to vector<8x32768xf32>
      %slice3A_143 = vector.extract_strided_slice %broadcast_in_dim3A {offsets = [7, 0], sizes = [1, 1], strides = [1, 1]} : vector<8x1xf32> to vector<1x1xf32>
      %squeeze3A_144 = vector.extract %slice3A_143[0, 0] : f32 from vector<1x1xf32>
      %eq3A_145 = vector.broadcast %squeeze3A_144 : f32 to vector<8x32768xf32>
      %eq3A_146 = arith.cmpf oeq, %squeeze3A_142, %eq3A_145 : vector<8x32768xf32>
      %mul3A_147 = arith.constant 8 : i32
      %mul3A_148 = vector.broadcast %mul3A_147 : i32 to vector<8x32768xi32>
      %mul3A_149 = arith.muli %iota3A_140, %mul3A_148 : vector<8x32768xi32>
      %add3A_150 = arith.addi %mul3A_149, %iota3A_139 : vector<8x32768xi32>
      %jit3A_151 = arith.constant 2147483647 : i32
      %broadcast_in_dim3A_152 = vector.broadcast %jit3A_151 : i32 to vector<8x32768xi32>
      %select_n3A_153 = arith.select %eq3A_146, %add3A_150, %broadcast_in_dim3A_152 : vector<8x32768xi1>, vector<8x32768xi32>
      %reduce_min3A_154 = vector.shape_cast %select_n3A_153 : vector<8x32768xi32> to vector<1x8x32768xi32>
      %reduce_min3A_155 = arith.constant dense<2147483647> : vector<1xi32>
      %reduce_min3A_156 = vector.multi_reduction <minsi>, %reduce_min3A_154, %reduce_min3A_155 [1, 2] : vector<1x8x32768xi32> to vector<1xi32>
      %reduce_min3A_157 = vector.shape_cast %reduce_min3A_156 : vector<1xi32> to vector<1x1x1xi32>
      %reduce_min3A_158 = vector.extract %reduce_min3A_157[0, 0, 0] : i32 from vector<1x1x1xi32>
      %jit3A_159 = arith.constant 8 : i32
      %eq3A_160 = arith.constant 0 : i32
      %eq3A_161 = arith.cmpi eq, %jit3A_159, %eq3A_160 : i32
      %jit3A_162 = arith.constant 1 : i32
      %select_n3A_163 = arith.select %eq3A_161, %jit3A_162, %jit3A_159 : i32
      %rem3A = arith.remsi %reduce_min3A_158, %select_n3A_163 : i32
      %ne3A = arith.constant 0 : i32
      %ne3A_164 = arith.cmpi ne, %rem3A, %ne3A : i32
      %lt3A = arith.constant 0 : i32
      %lt3A_165 = arith.cmpi slt, %rem3A, %lt3A : i32
      %lt3A_166 = arith.constant 0 : i32
      %lt3A_167 = arith.cmpi slt, %select_n3A_163, %lt3A_166 : i32
      %ne3A_168 = arith.xori %lt3A_165, %lt3A_167 : i1
      %and3A = arith.andi %ne3A_168, %ne3A_164 : i1
      %add3A_169 = arith.addi %rem3A, %select_n3A_163 : i32
      %select_n3A_170 = arith.select %and3A, %add3A_169, %rem3A : i32
      scf.yield %select_n3A_170 : i32
    } else {
      scf.yield %squeeze3A_118 : i32
    }
    %eq3A_123 = arith.constant 7 : i32
    %eq3A_124 = vector.broadcast %eq3A_123 : i32 to vector<8xi32>
    %eq3A_125 = arith.cmpi eq, %iota3A_11, %eq3A_124 : vector<8xi32>
    %broadcast_in_dim3A_126 = vector.broadcast %cond3A_122 : i32 to vector<8xi32>
    %select_n3A_127 = arith.select %eq3A_125, %broadcast_in_dim3A_126, %select_n3A_112 : vector<8xi1>, vector<8xi32>
    %mul3A = arith.constant 8 : i32
    %mul3A_128 = arith.muli %arg0, %mul3A : i32
    %add3A = vector.broadcast %mul3A_128 : i32 to vector<8xi32>
    %add3A_129 = arith.addi %add3A, %iota3A_11 : vector<8xi32>
    %mul3A_130 = arith.constant 8 : i32
    %mul3A_131 = vector.broadcast %mul3A_130 : i32 to vector<8xi32>
    %mul3A_132 = arith.muli %add3A_129, %mul3A_131 : vector<8xi32>
    %add3A_133 = arith.addi %mul3A_132, %select_n3A_127 : vector<8xi32>
    %swap3A = arith.constant 0 : index
    %swap3A_134 = arith.constant 0 : index
    %swap3A_135 = arith.constant 0 : index
    %swap3A_136 = vector.load %arg2[%swap3A, %swap3A_134, %swap3A_135] : memref<1x1x8xi32, #tpu.memory_space<vmem>>, vector<1x1x8xi32>
    %swap3A_137 = vector.shape_cast %swap3A_136 : vector<1x1x8xi32> to vector<8xi32>
    %swap3A_138 = vector.shape_cast %add3A_133 : vector<8xi32> to vector<1x1x8xi32>
    tpu.vector_store %arg2[%swap3A, %swap3A_134, %swap3A_135], %swap3A_138 {strides = array<i32>} : memref<1x1x8xi32, #tpu.memory_space<vmem>>, vector<1x1x8xi32>,
    return
  }
  func.func @transform_0(%arg0: i32) -> (i32, i32, i32) {
    %c0_i32 = arith.constant 0 : i32
    %c0_i32_0 = arith.constant 0 : i32
    %c0_i32_1 = arith.constant 0 : i32
    return %arg0, %c0_i32, %c0_i32_0 : i32, i32, i32
  }
  func.func @transform_1(%arg0: i32) -> (i32, i32, i32) {
    %c0_i32 = arith.constant 0 : i32
    %c0_i32_0 = arith.constant 0 : i32
    %c0_i32_1 = arith.constant 0 : i32
    return %arg0, %c0_i32, %c0_i32_0 : i32, i32, i32
  }
}

</mosaic_0001>

<sc_bundles>
// kernel: kernel.4.cloned.1.call-start
scs
__scs_entry_jumppad:
0x0: {  	(pc) =	sbr.rel $0x88, $3  }
0x1: {  	(tag) =	ssettag $0x0;
	lr =	simm.s32 $0x1  }
0x2: {  	[smem:$0x3FA0] =	sst lr;
	_ =	strace $0xD0000000  }
0x3: {  	_ = 	snop  }
0x4: {  	_ = 	snop  }
0x5: {  	_ = 	snop  }
0x6: {  	_ = 	snop  }
0x7: {  	_ = 	snop  }
__scs_overlays_trampoline_lowered:
0x8: {  	[smem:$0x3FAF] =	sst s0  }
0x9: {  	[smem:$0x3FB0] =	sst s1  }
0xa: {  	[smem:$0x3FB1] =	sst s2  }
0xb: {  	[smem:$0x3FB2] =	sst s3  }
0xc: {  	[smem:$0x3FB3] =	sst s4  }
0xd: {  	[smem:$0x3FB4] =	sst s5  }
0xe: {  	[smem:$0x3FB5] =	sst s6  }
0xf: {  	[smem:$0x3FB6] =	sst s7  }
0x10: {  	[smem:$0x3FB7] =	sst s8  }
0x11: {  	[smem:$0x3FB8] =	sst s9;
	s0 =	simm.s32 @!p0 $0x0  }
0x12: {  	s1 =	sld [smem:$0x3F9E];
	s0 =	simm.s32 @p0 $0x1  }
0x13: {  	[smem:$0x3FB9] =	sst s0;
	s0 =	simm.s32 @!p1 $0x0  }
0x14: {  	s2 =	sld [smem:$0x3F9D];
	s0 =	simm.s32 @p1 $0x1  }
0x15: {  	[smem:$0x3FBA] =	sst s0;
	s0 =	simm.s32 @!p2 $0x0  }
0x16: {  	s3 =	sld [smem:$0x3FDB];
	s0 =	simm.s32 @p2 $0x1  }
0x17: {  	s4 =	simm.s32 $0x1BF5;
	[smem:$0x3FBC] =	sst s0  }
0x18: {  	s0 =	sld [smem:$0x3F9F];
	_ =	swait.ge [sflag:s4], $0x0  }
0x19: {  	s7 =	sld [smem:$0x3FA0]  }
0x1a: {  	s8 =	sadd.s32 $0xFFFFE003, lr  }
0x1b: {  	s9 =	sadd.s32 $0xFFFFFEF7, lr;
	s5 =	simm.s32 $0xFFFFFFFF;
	p2 =	slt.u32 s8, $0xFFFFF086  }
0x1c: {  	p1 =	slt.u32 s9, $0xF7A;
	s5 =	simm.s32 @!p2 $0x0  }
0x1d: {  	s5 =	simm.s32 @p1 $0x1;
	p0 =	seq.s32 s7, s2  }
0x1e: {  	s7 =	smul.u32 @!p0 $0xF7A, s2;
	p2 =	seq.s32 @!p0 s5, $0x0  }
0x1f: {  	s9 =	smul.u32 $0xF7A, s1;
	s8 =	simm.s32 @!p0 $0x1BF5;
	p2 =	por !p2, p0  }
0x20: {  	[sflag:s8] =	ssyncset.s32 @!p0 $0xFFFFF086;
	s6 =	sadd.s32 @!p0 s3, s7;
	s7 =	simm.s32 @!p0 $0x108  }
0x21: {  	s3 =	sadd.s32 s3, s9;
	s6 =	sadd.s32 @!p0 $0x88, s6;
	s7 =	simm.s32 @p2 $0x1082  }
0x22: {  	[simem:s7], [sflag:s8] =	dma.local @!p0 [hbm:s6], $0xF7A  }
0x23: {  	s9 =	sor.u32 $0xD0000000, s2;
	s6 =	simm.s32 $0x108;
	_ =	swait.ge @!p0 [sflag:s8], $0x0  }
0x24: {  	s3 =	sadd.s32 $0x88, s3;
	s6 =	simm.s32 @!p1 $0x1082;
	[sflag:s4] =	ssyncset.s32 $0xFFFFF086  }
0x25: {  	[simem:s6], [sflag:s4] =	dma.local [hbm:s3], $0xF7A  }
0x26: {  	[smem:$0x3FA0] =	sst s1;
	(tag) =	ssettag s2;
	_ =	strace s9  }
0x27: {  	s1 =	sld [smem:$0x3FB0]  }
0x28: {  	s2 =	sld [smem:$0x3FB1]  }
0x29: {  	s4 =	sld [smem:$0x3FB3]  }
0x2a: {  	p0 =	seq.s32 s5, $0x0;
	s5 =	sld [smem:$0x3FB4]  }
0x2b: {  	s6 =	sld [smem:$0x3FB5]  }
0x2c: {  	s7 =	sld [smem:$0x3FB6]  }
0x2d: {  	s3 =	simm.s32 $0x108;
	s8 =	sld [smem:$0x3FB7]  }
0x2e: {  	s3 =	simm.s32 @!p0 $0x1082;
	s9 =	sld [smem:$0x3FB8]  }
0x2f: {  	lr =	sadd.s32 s0, s3;
	s0 =	sld [smem:$0x3FAF]  }
0x30: {  	s3 =	sld [smem:$0x3FB2]  }
0x31: {  	[smem:$0x3FBB] =	sst s10  }
0x32: {  	s10 =	sld [smem:$0x3FB9];
	_ =	sdelay $0x3  }
0x33: {  	p0 =	seq.s32 s10, $0x1;
	s10 =	sld [smem:$0x3FBB];
	_ =	sdelay $0x3  }
0x34: {  	[smem:$0x3FBB] =	sst s10  }
0x35: {  	s10 =	sld [smem:$0x3FBA];
	_ =	sdelay $0x3  }
0x36: {  	p1 =	seq.s32 s10, $0x1;
	s10 =	sld [smem:$0x3FBB];
	_ =	sdelay $0x3  }
0x37: {  	[smem:$0x3FBB] =	sst s10  }
0x38: {  	s10 =	sld [smem:$0x3FBC]  }
0x39: {  	_ = 	snop;
	(pc) =	sbr.ind lr, $3  }
0x3a: {  	_ = 	snop  }
0x3b: {  	_ = 	snop  }
0x3c: {  	p2 =	seq.s32 s10, $0x1;
	s10 =	sld [smem:$0x3FBB]  }
0x3d: {  	_ =	shalt  }
0x3e: {  	_ =	shalt  }
0x3f: {  	_ =	shalt  }
0x40: {  	_ =	shalt  }
0x41: {  	_ =	shalt  }
0x42: {  	_ =	shalt  }
0x43: {  	_ =	shalt  }
0x44: {  	_ =	shalt  }
0x45: {  	_ =	shalt  }
0x46: {  	_ =	shalt  }
0x47: {  	_ =	shalt  }
0x48: {  	_ =	shalt  }
0x49: {  	_ =	shalt  }
0x4a: {  	_ =	shalt  }
0x4b: {  	_ =	shalt  }
0x4c: {  	_ =	shalt  }
0x4d: {  	_ =	shalt  }
0x4e: {  	_ =	shalt  }
0x4f: {  	_ =	shalt  }
0x50: {  	_ =	shalt  }
0x51: {  	_ =	shalt  }
0x52: {  	_ =	shalt  }
0x53: {  	_ =	shalt  }
0x54: {  	_ =	shalt  }
0x55: {  	_ =	shalt  }
0x56: {  	_ =	shalt  }
0x57: {  	_ =	shalt  }
0x58: {  	_ =	shalt  }
0x59: {  	_ =	shalt  }
0x5a: {  	_ =	shalt  }
0x5b: {  	_ =	shalt  }
0x5c: {  	_ =	shalt  }
0x5d: {  	_ =	shalt  }
0x5e: {  	_ =	shalt  }
0x5f: {  	_ =	shalt  }
0x60: {  	_ =	shalt  }
0x61: {  	_ =	shalt  }
0x62: {  	_ =	shalt  }
0x63: {  	_ =	shalt  }
0x64: {  	_ =	shalt  }
0x65: {  	_ =	shalt  }
0x66: {  	_ =	shalt  }
0x67: {  	_ =	shalt  }
0x68: {  	_ =	shalt  }
0x69: {  	_ =	shalt  }
0x6a: {  	_ =	shalt  }
0x6b: {  	_ =	shalt  }
0x6c: {  	_ =	shalt  }
0x6d: {  	_ =	shalt  }
0x6e: {  	_ =	shalt  }
0x6f: {  	_ =	shalt  }
0x70: {  	_ =	shalt  }
0x71: {  	_ =	shalt  }
0x72: {  	_ =	shalt  }
0x73: {  	_ =	shalt  }
0x74: {  	_ =	shalt  }
0x75: {  	_ =	shalt  }
0x76: {  	_ =	shalt  }
0x77: {  	_ =	shalt  }
0x78: {  	_ =	shalt  }
0x79: {  	_ =	shalt  }
0x7a: {  	_ =	shalt  }
0x7b: {  	_ =	shalt  }
0x7c: {  	_ =	shalt  }
0x7d: {  	_ =	shalt  }
0x7e: {  	_ =	shalt  }
0x7f: {  	_ =	shalt  }
0x80: {  	_ =	shalt  }
0x81: {  	_ =	shalt  }
0x82: {  	_ =	shalt  }
0x83: {  	_ =	shalt  }
0x84: {  	_ =	shalt  }
0x85: {  	_ =	shalt  }
0x86: {  	_ =	shalt  }
0x87: {  	_ =	shalt  }
.Lfunc_end0:
.L_simem_size_0:
called_computation_lowered:
.L_overlay_start_0:
0x88: {  	s2 =	sld [smem:$0x3FD9]  }
0x89: {  	s3 =	sld [smem:$0x3FFE];
	_ =	sdelay $0x1  }
0x8a: {  	s1 =	srdreg.scid  }
0x8b: {  	s0 =	sand.u32 $0x1, s1  }
0x8c: {  	s17 =	sshll.u32 s0, $0xA;
	s2 =	sadd.s32 s3, s2  }
0x8d: {  	s2 =	sadd.s32 s2, s17  }
0x8e: {  	[smem:$0x3FC7] =	sst s2  }
0x8f: {  	_ = 	snop  }
0x90: {  	s2 =	sld [smem:$0x3FC9]  }
0x91: {  	s18 =	sld [smem:$0x3FD0];
	(tm) =	ssettm $0x1  }
0x92: {  	s4 =	sld [smem:$0x3FFB];
	_ =	sdelay $0x3  }
0x93: {  	_ =	strace s4  }
0x94: {  	s4 =	sld [smem:$0x3FFC];
	_ =	sdelay $0x3  }
0x95: {  	_ =	strace s4  }
0x96: {  	s4 =	sld [smem:$0x3FFD];
	_ =	sdelay $0x3  }
0x97: {  	_ =	strace s4  }
0x98: {  	_ =	strace $0x8FFFFFFF  }
0x99: {  	s19 =	sld [smem:$0x3FDB];
	_ =	sdelay $0x1  }
0x9a: {  	s5 =	simm.s32 $_scs_section_size  }
0x9b: {  	s6 =	simm.s32 $_size__tile_overlayer_lowered;
	s7 =	simm.s32 $_tile_overlayer_lowered  }
0x9c: {  	s22 =	simm.s32 $0x1BFF;
	s21 =	sshll.u32 s7, $0x1;
	s4 =	sadd.s32 s5, s19  }
0x9d: {  	s8 =	simm.s32 $0x0;
	s20 =	sshll.u32 s6, $0x1;
	s6 =	sadd.s32 s21, s4  }
0x9e: {  	[timem:s8], [sflag:s22] =	dma.local [hbm:s6], s20  }
0x9f: {  	_ =	swait.ge [sflag:s22], s20  }
0xa0: {  	s5 =	ssub.s32 $0x0, s20;
	[sflag:s22] =	ssyncset.done $0x0  }
0xa1: {  	[sflag:s22] =	ssyncadd.s32 s5;
	_ =	sdelay $0x1  }
0xa2: {  	s23 =	simm.s32 $0x1B8B  }
0xa3: {  	_ =	swait.ge [sflag:s23], $0x1  }
0xa4: {  	[sflag:s23] =	ssyncset.done $0x0  }
0xa5: {  	s25 =	simm.s32 $0x1B8E;
	s24 =	sld [smem:$0x3FFE];
	[sflag:s23] =	ssyncadd.s32 $0xFFFFFFFF  }
0xa6: {  	s26 =	simm.s32 $execute0_lowered;
	[smem:$0x3FD2] =	sst s25  }
0xa7: {  	s6 =	sshll.u32 s26, $0x1;
	_ =	strace $0x80000046;
	[dreg:$0x1] =	wrdreg $0xFFFFFFFF  }
0xa8: {  	s28 =	simm.s32 $_size_execute0_lowered;
	s4 =	sadd.s32 s4, s6;
	[dreg:$0x0] =	wrdreg $0x0  }
0xa9: {  	s6 =	sshll.u32 s28, $0x1;
	[dreg:$0x2] =	wrdreg s4  }
0xaa: {  	[dreg:$0x3] =	wrdreg s6  }
0xab: {  	[dreg:$0x4] =	wrdreg $0xC0  }
0xac: {  	_ =	task [dreg:s8], $0x5FFFF  }
0xad: {  	[dreg:$0x1] =	wrdreg $0xFFFFFFFF  }
0xae: {  	[dreg:$0x0] =	wrdreg $0x60  }
0xaf: {  	[dreg:$0x2] =	wrdreg s2  }
0xb0: {  	[dreg:$0x3] =	wrdreg s24  }
0xb1: {  	[dreg:$0x4] =	wrdreg s18  }
0xb2: {  	[dreg:$0x5] =	wrdreg $0x9  }
0xb3: {  	_ =	task.clear_ibuf [dreg:s8], $0x6FFFF;
	_ =	strace $0x90000046  }
0xb4: {  	s29 =	simm.s32 $0x9;
	_ =	strace $0x80000048  }
0xb5: {  	_ =	swait.ge [sflag:s29], $0x1  }
0xb6: {  	[sflag:s29] =	ssyncadd.s32 $0xFFFFFFFF  }
0xb7: {  	_ =	strace $0x90000048  }
0xb8: {  	_ =	sfence  }
0xb9: {  	s30 =	sld [smem:$0x0];
	_ =	sdelay $0x2  }
0xba: {  	s31 =	sshll.u32 s1, $0xD;
	s1 =	sshrl.u32 s1, $0x2  }
0xbb: {  	s3 =	sand.u32 $0x4000, s31;
	s1 =	sadd.s32 s1, s30  }
0xbc: {  	s0 =	sor.u32 s3, s0;
	s1 =	sshll.u32 s1, $0x11  }
0xbd: {  	s0 =	sor.u32 s1, s0  }
0xbe: {  	s0 =	sadd.s32 $0x8F2B, s0  }
0xbf: {  	[sflag:s0] =	ssyncadd.remote.s32 $0x1  }
0xc0: {  	_ =	sfence.sel $0xFFFF  }
0xc1: {  	[dreg:$0x0] =	wrdreg $0xFFFFFFFF;
	(pc) =	sbr.abs _section_cstart, $3  }
0xc2: {  	[dreg:$0x1] =	wrdreg $0xFFFFFFFF  }
0xc3: {  	_ =	task.clear_ibuf [dreg:s8], $0x2FFFF;
	_ =	strace $0x9FFFFFFF  }
0xc4: {  	(tm) =	ssettm $0x7FFFFFFF  }
0xc5: {  	_ =	shalt  }
tec
execute0_lowered:
.L_overlay_start_1:
0x0: {  	(tag) =	ssettag $0x1  }
0x1: {  	s1 =	rddreg [dreg:$0x0]  }
0x2: {  	s0 =	rddreg [dreg:$0x1]  }
0x3: {  	s2 =	rddreg [dreg:$0x2];
	s3 =	simm.s32 $0x0  }
0x4: {  	s19 =	simm.s32 $0x8A00;
	[smem:$0x7FF] =	sst s3  }
0x5: {  	s20 =	simm.s32 $0x9200;
	_ =	strace $0x80000047;
	[dreg:$0x8] =	wrdreg s19  }
0x6: {  	s4 =	srdreg.scid;
	s21 =	simm.s32 $0x9A00;
	[dreg:$0x9] =	wrdreg s20  }
0x7: {  	s7 =	stileid.u32;
	s22 =	simm.s32 $0xA200;
	[dreg:$0xa] =	wrdreg s21  }
0x8: {  	s23 =	simm.s32 $0xAA00;
	s24 =	simm.s32 $0xB200;
	[dreg:$0xb] =	wrdreg s22  }
0x9: {  	s25 =	simm.s32 $0xBA00;
	s28 =	simm.s32 $0xC200;
	[dreg:$0xc] =	wrdreg s23  }
0xa: {  	s8 =	simm.s32 $0xE200;
	s9 =	simm.s32 $0xEA00;
	[dreg:$0xd] =	wrdreg s24  }
0xb: {  	s10 =	simm.s32 $0xF200;
	s11 =	simm.s32 $0xFA00;
	[dreg:$0xe] =	wrdreg s25  }
0xc: {  	s12 =	simm.s32 $0x10A00;
	s13 =	simm.s32 $0x11200;
	[dreg:$0xf] =	wrdreg s28  }
0xd: {  	s14 =	simm.s32 $0x11A00;
	s15 =	simm.s32 $0x12200;
	[dreg:$0x13] =	wrdreg s8  }
0xe: {  	s30 =	simm.s32 $0x1;
	s31 =	simm.s32 $0x200;
	[dreg:$0x14] =	wrdreg s9  }
0xf: {  	s29 =	simm.s32 $0xA00;
	s4 =	sand.u32 $0x1, s4;
	[dreg:$0x15] =	wrdreg s10  }
0x10: {  	s5 =	sshll.u32 s7, $0x7;
	s7 =	sshll.u32 s7, $0xF;
	[dreg:$0x16] =	wrdreg s11  }
0x11: {  	s6 =	sshll.u32 s4, $0x6;
	s26 =	ssub.s32 $0x2, s4;
	[dreg:$0x17] =	wrdreg s12  }
0x12: {  	s22 =	sadd.s32 $0x800, s1;
	s8 =	sadd.s32 $0x2000, s1;
	[dreg:$0x18] =	wrdreg s13  }
0x13: {  	s9 =	sadd.s32 $0x2800, s1;
	s10 =	sadd.s32 $0x3000, s1;
	[dreg:$0x19] =	wrdreg s14  }
0x14: {  	s11 =	sadd.s32 $0x3800, s1;
	[dreg:$0x1a] =	wrdreg s15;
	s19 =	simm.s32 $0x14200  }
0x15: {  	s12 =	sadd.s32 $0x4000, s1;
	s20 =	simm.s32 $0x14A00;
	[dreg:$0x1e] =	wrdreg s19  }
0x16: {  	s13 =	sadd.s32 $0x4800, s1;
	s21 =	simm.s32 $0x15200;
	[dreg:$0x1f] =	wrdreg s20  }
0x17: {  	s14 =	sadd.s32 $0x5000, s1;
	s23 =	simm.s32 $0x15A00;
	[smem:$0x7F8] =	sst s21  }
0x18: {  	s15 =	sadd.s32 $0x5800, s1;
	s24 =	simm.s32 $0x16200;
	[smem:$0x7F9] =	sst s23  }
0x19: {  	s25 =	simm.s32 $0x16A00;
	s28 =	simm.s32 $0x17A00;
	[smem:$0x7FA] =	sst s24  }
0x1a: {  	s5 =	sor.u32 s6, s5;
	s6 =	sor.u32 s6, s7;
	[smem:$0x7FB] =	sst s25  }
0x1b: {  	s4 =	sshrl.u32 s26, $0x1;
	s7 =	simm.s32 $0xDA00;
	[smem:$0x7FD] =	sst s28  }
0x1c: {  	s19 =	sadd.s32 $0x7800, s1;
	s0 =	sadd.s32 s0, s5;
	[dreg:$0x12] =	wrdreg s7  }
0x1d: {  	s23 =	simm.s32 $0x2200;
	s2 =	sadd.s32 s2, s6;
	[dreg:$0x4] =	wrdreg s0  }
0x1e: {  	s24 =	simm.s32 $0x2A00;
	s5 =	simm.s32 $0xCA00;
	[smem:$0x7F7] =	sst s2  }
0x1f: {  	s25 =	simm.s32 $0x3200;
	s6 =	simm.s32 $0xD200;
	[dreg:$0x10] =	wrdreg s5  }
0x20: {  	s7 =	sadd.s32 $0x1800, s1;
	s16 =	sadd.s32 $0x10, s2;
	[dreg:$0x11] =	wrdreg s6  }
0x21: {  	s17 =	sadd.s32 $0x20, s2;
	s18 =	sadd.s32 $0x30, s2;
	[dreg:$0x5] =	wrdreg s16  }
0x22: {  	s2 =	ssub.s32 s26, s4;
	s6 =	sadd.s32 $0x1000, s1;
	[dreg:$0x6] =	wrdreg s17  }
0x23: {  	s26 =	simm.s32 $0x17200;
	s5 =	simm.s32 $0x400;
	[dreg:$0x7] =	wrdreg s18  }
0x24: {  	s16 =	simm.s32 $0x12A00;
	s17 =	simm.s32 $0x13200;
	[smem:$0x7FC] =	sst s26  }
0x25: {  	s18 =	simm.s32 $0x13A00;
	s20 =	smax.u32 s2, $0x1;
	[dreg:$0x1b] =	wrdreg s16  }
0x26: {  	v1 =	vlaneseq.u32;
	s2 =	simm.s32 $0x4;
	s16 =	sadd.s32 $0x6000, s1;
	[dreg:$0x1c] =	wrdreg s17  }
0x27: {  	v0 =	vimm.s32 $0x0;
	vm0 =	vmmov $0xffff;
	v1 =	vmul.u32 $0x8, v1;
	s17 =	sadd.s32 $0x6800, s1;
	[dreg:$0x1d] =	wrdreg s18;
	s18 =	sadd.s32 $0x7000, s1  }
.LBB2_1:
0x28: {  	s26 =	rddreg [dreg:$0x4];
	s21 =	simm.s32 $0x7  }
0x29: {  	[tilespmem:s3], [sflag:$0x7] =	stream.linear.gather [hbm4b:s26+s3], $0x200, $0x38;
	[tilespmem:$0x18200] =	vst v63  }
0x2a: {  	_ =	swait.ge [sflag:s21], $0x200  }
0x2b: {  	[sflag:s21] =	ssyncset.done $0x0  }
0x2c: {  	[sflag:s21] =	ssyncadd.s32 $0xFFFFFE00  }
0x2d: {  	v2 =	vld.msk [tilespmem:$0x0], $0x1;
	_ =	sdelay $0x4  }
0x2e: {  	v3 =	vshll.u32 v2, $0x8  }
0x2f: {  	v2 =	vand.u32 $0x7, v2;
	v3 =	vand.u32 $0xFFFFF800, v3  }
0x30: {  	v2 =	vor.u32 v2, v3  }
0x31: {  	v2 =	vperm.xlane v2, v0;
	_ =	sdelay $0x1  }
0x32: {  	v2 =	vadd.s32 v1, v2;
	_ =	sdelay $0x3  }
0x33: {  	s4 =	rddreg [dreg:$0x0]  }
0x34: {  	[tilespmem:s31], [sflag:$0x1] =	stream.indirect_vreg.gather [hbm4b:s4+s3], $0x80, v2, vm0, $0xb8;
	[tilespmem:$0x18200] =	vst v63  }
0x35: {  	_ = 	snop  }
0x36: {  	[tilespmem:s29], [sflag:$0x1] =	stream.indirect_vreg.gather [hbm4b:s22+s3], $0x80, v2, vm0, $0xb8;
	[tilespmem:$0x18200] =	vst v63  }
0x37: {  	s21 =	simm.s32 $0x1200  }
0x38: {  	[tilespmem:s21], [sflag:$0x1] =	stream.indirect_vreg.gather [hbm4b:s6+s3], $0x80, v2, vm0, $0xb8;
	[tilespmem:$0x18200] =	vst v63  }
0x39: {  	s0 =	simm.s32 $0x1A00  }
0x3a: {  	[tilespmem:s0], [sflag:$0x1] =	stream.indirect_vreg.gather [hbm4b:s7+s3], $0x80, v2, vm0, $0xb8;
	[tilespmem:$0x18200] =	vst v63  }
0x3b: {  	_ = 	snop  }
0x3c: {  	[tilespmem:s23], [sflag:$0x1] =	stream.indirect_vreg.gather [hbm4b:s8+s3], $0x80, v2, vm0, $0xb8;
	[tilespmem:$0x18200] =	vst v63  }
0x3d: {  	_ = 	snop  }
0x3e: {  	[tilespmem:s24], [sflag:$0x1] =	stream.indirect_vreg.gather [hbm4b:s9+s3], $0x80, v2, vm0, $0xb8;
	[tilespmem:$0x18200] =	vst v63  }
0x3f: {  	_ = 	snop  }
0x40: {  	[tilespmem:s25], [sflag:$0x1] =	stream.indirect_vreg.gather [hbm4b:s10+s3], $0x80, v2, vm0, $0xb8;
	[tilespmem:$0x18200] =	vst v63  }
0x41: {  	s1 =	simm.s32 $0x3A00  }
0x42: {  	[tilespmem:s1], [sflag:$0x1] =	stream.indirect_vreg.gather [hbm4b:s11+s3], $0x80, v2, vm0, $0xb8;
	[tilespmem:$0x18200] =	vst v63  }
0x43: {  	s26 =	simm.s32 $0x4200  }
0x44: {  	[tilespmem:s26], [sflag:$0x1] =	stream.indirect_vreg.gather [hbm4b:s12+s3], $0x80, v2, vm0, $0xb8;
	[tilespmem:$0x18200] =	vst v63  }
0x45: {  	s28 =	simm.s32 $0x4A00  }
0x46: {  	[tilespmem:s28], [sflag:$0x1] =	stream.indirect_vreg.gather [hbm4b:s13+s3], $0x80, v2, vm0, $0xb8;
	[tilespmem:$0x18200] =	vst v63  }
0x47: {  	s1 =	simm.s32 $0x5200  }
0x48: {  	[tilespmem:s1], [sflag:$0x1] =	stream.indirect_vreg.gather [hbm4b:s14+s3], $0x80, v2, vm0, $0xb8;
	[tilespmem:$0x18200] =	vst v63  }
0x49: {  	s26 =	simm.s32 $0x5A00  }
0x4a: {  	[tilespmem:s26], [sflag:$0x1] =	stream.indirect_vreg.gather [hbm4b:s15+s3], $0x80, v2, vm0, $0xb8;
	[tilespmem:$0x18200] =	vst v63  }
0x4b: {  	s28 =	simm.s32 $0x6200  }
0x4c: {  	[tilespmem:s28], [sflag:$0x1] =	stream.indirect_vreg.gather [hbm4b:s16+s3], $0x80, v2, vm0, $0xb8;
	[tilespmem:$0x18200] =	vst v63  }
0x4d: {  	s1 =	simm.s32 $0x6A00  }
0x4e: {  	[tilespmem:s1], [sflag:$0x1] =	stream.indirect_vreg.gather [hbm4b:s17+s3], $0x80, v2, vm0, $0xb8;
	[tilespmem:$0x18200] =	vst v63  }
0x4f: {  	s26 =	simm.s32 $0x7200  }
0x50: {  	[tilespmem:s26], [sflag:$0x1] =	stream.indirect_vreg.gather [hbm4b:s18+s3], $0x80, v2, vm0, $0xb8;
	[tilespmem:$0x18200] =	vst v63  }
0x51: {  	s28 =	simm.s32 $0x7A00  }
0x52: {  	[tilespmem:s28], [sflag:$0x1] =	stream.indirect_vreg.gather [hbm4b:s19+s3], $0x80, v2, vm0, $0xb8;
	[tilespmem:$0x18200] =	vst v63  }
0x53: {  	v2 =	vld.msk [tilespmem:$0x80], $0x1;
	_ =	sdelay $0x4  }
0x54: {  	v3 =	vshll.u32 v2, $0x8  }
0x55: {  	v2 =	vand.u32 $0x7, v2;
	v3 =	vand.u32 $0xFFFFF800, v3  }
0x56: {  	v2 =	vor.u32 v2, v3  }
0x57: {  	v2 =	vperm.xlane v2, v0;
	_ =	sdelay $0x1  }
0x58: {  	v2 =	vadd.s32 v1, v2;
	_ =	sdelay $0x3  }
0x59: {  	s1 =	simm.s32 $0x8200  }
0x5a: {  	[tilespmem:s1], [sflag:$0x2] =	stream.indirect_vreg.gather [hbm4b:s4+s3], $0x80, v2, vm0, $0xb8;
	[tilespmem:$0x18200] =	vst v63  }
0x5b: {  	s0 =	rddreg [dreg:$0x8]  }
0x5c: {  	[tilespmem:s0], [sflag:$0x2] =	stream.indirect_vreg.gather [hbm4b:s22+s3], $0x80, v2, vm0, $0xb8;
	[tilespmem:$0x18200] =	vst v63  }
0x5d: {  	s28 =	rddreg [dreg:$0x9]  }
0x5e: {  	[tilespmem:s28], [sflag:$0x2] =	stream.indirect_vreg.gather [hbm4b:s6+s3], $0x80, v2, vm0, $0xb8;
	[tilespmem:$0x18200] =	vst v63  }
0x5f: {  	s0 =	rddreg [dreg:$0xa]  }
0x60: {  	[tilespmem:s0], [sflag:$0x2] =	stream.indirect_vreg.gather [hbm4b:s7+s3], $0x80, v2, vm0, $0xb8;
	[tilespmem:$0x18200] =	vst v63  }
0x61: {  	s28 =	rddreg [dreg:$0xb]  }
0x62: {  	[tilespmem:s28], [sflag:$0x2] =	stream.indirect_vreg.gather [hbm4b:s8+s3], $0x80, v2, vm0, $0xb8;
	[tilespmem:$0x18200] =	vst v63  }
0x63: {  	s0 =	rddreg [dreg:$0xc]  }
0x64: {  	[tilespmem:s0], [sflag:$0x2] =	stream.indirect_vreg.gather [hbm4b:s9+s3], $0x80, v2, vm0, $0xb8;
	[tilespmem:$0x18200] =	vst v63  }
0x65: {  	s28 =	rddreg [dreg:$0xd]  }
0x66: {  	[tilespmem:s28], [sflag:$0x2] =	stream.indirect_vreg.gather [hbm4b:s10+s3], $0x80, v2, vm0, $0xb8;
	[tilespmem:$0x18200] =	vst v63  }
0x67: {  	s0 =	rddreg [dreg:$0xe]  }
0x68: {  	[tilespmem:s0], [sflag:$0x2] =	stream.indirect_vreg.gather [hbm4b:s11+s3], $0x80, v2, vm0, $0xb8;
	[tilespmem:$0x18200] =	vst v63  }
0x69: {  	s28 =	rddreg [dreg:$0xf]  }
0x6a: {  	[tilespmem:s28], [sflag:$0x2] =	stream.indirect_vreg.gather [hbm4b:s12+s3], $0x80, v2, vm0, $0xb8;
	[tilespmem:$0x18200] =	vst v63  }
0x6b: {  	s0 =	rddreg [dreg:$0x10]  }
0x6c: {  	[tilespmem:s0], [sflag:$0x2] =	stream.indirect_vreg.gather [hbm4b:s13+s3], $0x80, v2, vm0, $0xb8;
	[tilespmem:$0x18200] =	vst v63  }
0x6d: {  	s28 =	rddreg [dreg:$0x11]  }
0x6e: {  	[tilespmem:s28], [sflag:$0x2] =	stream.indirect_vreg.gather [hbm4b:s14+s3], $0x80, v2, vm0, $0xb8;
	[tilespmem:$0x18200] =	vst v63  }
0x6f: {  	s0 =	rddreg [dreg:$0x12]  }
0x70: {  	[tilespmem:s0], [sflag:$0x2] =	stream.indirect_vreg.gather [hbm4b:s15+s3], $0x80, v2, vm0, $0xb8;
	[tilespmem:$0x18200] =	vst v63  }
0x71: {  	s28 =	rddreg [dreg:$0x13]  }
0x72: {  	[tilespmem:s28], [sflag:$0x2] =	stream.indirect_vreg.gather [hbm4b:s16+s3], $0x80, v2, vm0, $0xb8;
	[tilespmem:$0x18200] =	vst v63  }
0x73: {  	s0 =	rddreg [dreg:$0x14]  }
0x74: {  	[tilespmem:s0], [sflag:$0x2] =	stream.indirect_vreg.gather [hbm4b:s17+s3], $0x80, v2, vm0, $0xb8;
	[tilespmem:$0x18200] =	vst v63  }
0x75: {  	s28 =	rddreg [dreg:$0x15]  }
0x76: {  	[tilespmem:s28], [sflag:$0x2] =	stream.indirect_vreg.gather [hbm4b:s18+s3], $0x80, v2, vm0, $0xb8;
	[tilespmem:$0x18200] =	vst v63  }
0x77: {  	s0 =	rddreg [dreg:$0x16]  }
0x78: {  	[tilespmem:s0], [sflag:$0x2] =	stream.indirect_vreg.gather [hbm4b:s19+s3], $0x80, v2, vm0, $0xb8;
	[tilespmem:$0x18200] =	vst v63  }
0x79: {  	v2 =	vld.msk [tilespmem:$0x100], $0x1;
	_ =	sdelay $0x4  }
0x7a: {  	v3 =	vshll.u32 v2, $0x8  }
0x7b: {  	v2 =	vand.u32 $0x7, v2;
	v3 =	vand.u32 $0xFFFFF800, v3  }
0x7c: {  	v2 =	vor.u32 v2, v3  }
0x7d: {  	v2 =	vperm.xlane v2, v0;
	_ =	sdelay $0x1  }
0x7e: {  	v2 =	vadd.s32 v1, v2;
	_ =	sdelay $0x3  }
0x7f: {  	s26 =	rddreg [dreg:$0x17];
	s0 =	simm.s32 $0x10200  }
0x80: {  	[tilespmem:s0], [sflag:$0x3] =	stream.indirect_vreg.gather [hbm4b:s4+s3], $0x80, v2, vm0, $0xb8;
	[tilespmem:$0x18200] =	vst v63  }
0x81: {  	s28 =	rddreg [dreg:$0x18]  }
0x82: {  	[tilespmem:s26], [sflag:$0x3] =	stream.indirect_vreg.gather [hbm4b:s22+s3], $0x80, v2, vm0, $0xb8;
	[tilespmem:$0x18200] =	vst v63  }
0x83: {  	s26 =	rddreg [dreg:$0x19]  }
0x84: {  	[tilespmem:s28], [sflag:$0x3] =	stream.indirect_vreg.gather [hbm4b:s6+s3], $0x80, v2, vm0, $0xb8;
	[tilespmem:$0x18200] =	vst v63  }
0x85: {  	s28 =	rddreg [dreg:$0x1a]  }
0x86: {  	[tilespmem:s26], [sflag:$0x3] =	stream.indirect_vreg.gather [hbm4b:s7+s3], $0x80, v2, vm0, $0xb8;
	[tilespmem:$0x18200] =	vst v63  }
0x87: {  	s26 =	rddreg [dreg:$0x1b]  }
0x88: {  	[tilespmem:s28], [sflag:$0x3] =	stream.indirect_vreg.gather [hbm4b:s8+s3], $0x80, v2, vm0, $0xb8;
	[tilespmem:$0x18200] =	vst v63  }
0x89: {  	s28 =	rddreg [dreg:$0x1c]  }
0x8a: {  	[tilespmem:s26], [sflag:$0x3] =	stream.indirect_vreg.gather [hbm4b:s9+s3], $0x80, v2, vm0, $0xb8;
	[tilespmem:$0x18200] =	vst v63  }
0x8b: {  	s26 =	rddreg [dreg:$0x1d]  }
0x8c: {  	[tilespmem:s28], [sflag:$0x3] =	stream.indirect_vreg.gather [hbm4b:s10+s3], $0x80, v2, vm0, $0xb8;
	[tilespmem:$0x18200] =	vst v63  }
0x8d: {  	s28 =	rddreg [dreg:$0x1e]  }
0x8e: {  	[tilespmem:s26], [sflag:$0x3] =	stream.indirect_vreg.gather [hbm4b:s11+s3], $0x80, v2, vm0, $0xb8;
	[tilespmem:$0x18200] =	vst v63  }
0x8f: {  	s26 =	rddreg [dreg:$0x1f]  }
0x90: {  	[tilespmem:s28], [sflag:$0x3] =	stream.indirect_vreg.gather [hbm4b:s12+s3], $0x80, v2, vm0, $0xb8;
	[tilespmem:$0x18200] =	vst v63  }
0x91: {  	s28 =	sld [smem:$0x7F8]  }
0x92: {  	[tilespmem:s26], [sflag:$0x3] =	stream.indirect_vreg.gather [hbm4b:s13+s3], $0x80, v2, vm0, $0xb8;
	[tilespmem:$0x18200] =	vst v63  }
0x93: {  	s26 =	sld [smem:$0x7F9]  }
0x94: {  	[tilespmem:s28], [sflag:$0x3] =	stream.indirect_vreg.gather [hbm4b:s14+s3], $0x80, v2, vm0, $0xb8;
	[tilespmem:$0x18200] =	vst v63  }
0x95: {  	s28 =	sld [smem:$0x7FA]  }
0x96: {  	[tilespmem:s26], [sflag:$0x3] =	stream.indirect_vreg.gather [hbm4b:s15+s3], $0x80, v2, vm0, $0xb8;
	[tilespmem:$0x18200] =	vst v63  }
0x97: {  	s26 =	sld [smem:$0x7FB]  }
0x98: {  	[tilespmem:s28], [sflag:$0x3] =	stream.indirect_vreg.gather [hbm4b:s16+s3], $0x80, v2, vm0, $0xb8;
	[tilespmem:$0x18200] =	vst v63  }
0x99: {  	s28 =	sld [smem:$0x7FC]  }
0x9a: {  	[tilespmem:s26], [sflag:$0x3] =	stream.indirect_vreg.gather [hbm4b:s17+s3], $0x80, v2, vm0, $0xb8;
	[tilespmem:$0x18200] =	vst v63  }
0x9b: {  	s26 =	sld [smem:$0x7FD]  }
0x9c: {  	[tilespmem:s28], [sflag:$0x3] =	stream.indirect_vreg.gather [hbm4b:s18+s3], $0x80, v2, vm0, $0xb8;
	[tilespmem:$0x18200] =	vst v63  }
0x9d: {  	_ = 	snop  }
0x9e: {  	[tilespmem:s26], [sflag:$0x3] =	stream.indirect_vreg.gather [hbm4b:s19+s3], $0x80, v2, vm0, $0xb8;
	[tilespmem:$0x18200] =	vst v63  }
0x9f: {  	_ =	swait.ge [sflag:s30], $0x8000  }
0xa0: {  	s26 =	sld [smem:$0x7F7]  }
0xa1: {  	[sflag:s30] =	ssyncset.done $0x0  }
0xa2: {  	s28 =	simm.s32 $0x80;
	[sflag:s30] =	ssyncadd.s32 $0xFFFF8000  }
0xa3: {  	[hbm4b:s26+s28] =	stream.strided.scatter [tilespmem:s31], [sflag:$0x4], $0x8000, s5, s28, $0x38;
	[tilespmem:$0x18200] =	vst v63  }
0xa4: {  	_ =	swait.ge [sflag:s2], $0x8000  }
0xa5: {  	[sflag:s2] =	ssyncset.done $0x0  }
0xa6: {  	[sflag:s2] =	ssyncadd.s32 $0xFFFF8000  }
0xa7: {  	v2 =	vld.msk [tilespmem:$0x180], $0x1;
	_ =	sdelay $0x4  }
0xa8: {  	v3 =	vshll.u32 v2, $0x8  }
0xa9: {  	v2 =	vand.u32 $0x7, v2;
	v3 =	vand.u32 $0xFFFFF800, v3  }
0xaa: {  	v2 =	vor.u32 v2, v3  }
0xab: {  	v2 =	vperm.xlane v2, v0;
	_ =	sdelay $0x1  }
0xac: {  	v2 =	vadd.s32 v1, v2;
	_ =	sdelay $0x4  }
0xad: {  	[tilespmem:s31], [sflag:$0x1] =	stream.indirect_vreg.gather [hbm4b:s4+s3], $0x80, v2, vm0, $0xb8;
	[tilespmem:$0x18200] =	vst v63  }
0xae: {  	_ = 	snop  }
0xaf: {  	[tilespmem:s29], [sflag:$0x1] =	stream.indirect_vreg.gather [hbm4b:s22+s3], $0x80, v2, vm0, $0xb8;
	[tilespmem:$0x18200] =	vst v63  }
0xb0: {  	_ = 	snop  }
0xb1: {  	[tilespmem:s21], [sflag:$0x1] =	stream.indirect_vreg.gather [hbm4b:s6+s3], $0x80, v2, vm0, $0xb8;
	[tilespmem:$0x18200] =	vst v63  }
0xb2: {  	s26 =	simm.s32 $0x1A00  }
0xb3: {  	[tilespmem:s26], [sflag:$0x1] =	stream.indirect_vreg.gather [hbm4b:s7+s3], $0x80, v2, vm0, $0xb8;
	[tilespmem:$0x18200] =	vst v63  }
0xb4: {  	_ = 	snop  }
0xb5: {  	[tilespmem:s23], [sflag:$0x1] =	stream.indirect_vreg.gather [hbm4b:s8+s3], $0x80, v2, vm0, $0xb8;
	[tilespmem:$0x18200] =	vst v63  }
0xb6: {  	_ = 	snop  }
0xb7: {  	[tilespmem:s24], [sflag:$0x1] =	stream.indirect_vreg.gather [hbm4b:s9+s3], $0x80, v2, vm0, $0xb8;
	[tilespmem:$0x18200] =	vst v63  }
0xb8: {  	_ = 	snop  }
0xb9: {  	[tilespmem:s25], [sflag:$0x1] =	stream.indirect_vreg.gather [hbm4b:s10+s3], $0x80, v2, vm0, $0xb8;
	[tilespmem:$0x18200] =	vst v63  }
0xba: {  	s21 =	simm.s32 $0x3A00  }
0xbb: {  	[tilespmem:s21], [sflag:$0x1] =	stream.indirect_vreg.gather [hbm4b:s11+s3], $0x80, v2, vm0, $0xb8;
	[tilespmem:$0x18200] =	vst v63  }
0xbc: {  	s26 =	simm.s32 $0x4200  }
0xbd: {  	[tilespmem:s26], [sflag:$0x1] =	stream.indirect_vreg.gather [hbm4b:s12+s3], $0x80, v2, vm0, $0xb8;
	[tilespmem:$0x18200] =	vst v63  }
0xbe: {  	s21 =	simm.s32 $0x4A00  }
0xbf: {  	[tilespmem:s21], [sflag:$0x1] =	stream.indirect_vreg.gather [hbm4b:s13+s3], $0x80, v2, vm0, $0xb8;
	[tilespmem:$0x18200] =	vst v63  }
0xc0: {  	s26 =	simm.s32 $0x5200  }
0xc1: {  	[tilespmem:s26], [sflag:$0x1] =	stream.indirect_vreg.gather [hbm4b:s14+s3], $0x80, v2, vm0, $0xb8;
	[tilespmem:$0x18200] =	vst v63  }
0xc2: {  	s21 =	simm.s32 $0x5A00  }
0xc3: {  	[tilespmem:s21], [sflag:$0x1] =	stream.indirect_vreg.gather [hbm4b:s15+s3], $0x80, v2, vm0, $0xb8;
	[tilespmem:$0x18200] =	vst v63  }
0xc4: {  	s26 =	simm.s32 $0x6200  }
0xc5: {  	[tilespmem:s26], [sflag:$0x1] =	stream.indirect_vreg.gather [hbm4b:s16+s3], $0x80, v2, vm0, $0xb8;
	[tilespmem:$0x18200] =	vst v63  }
0xc6: {  	s21 =	simm.s32 $0x6A00  }
0xc7: {  	[tilespmem:s21], [sflag:$0x1] =	stream.indirect_vreg.gather [hbm4b:s17+s3], $0x80, v2, vm0, $0xb8;
	[tilespmem:$0x18200] =	vst v63  }
0xc8: {  	s26 =	simm.s32 $0x7200  }
0xc9: {  	[tilespmem:s26], [sflag:$0x1] =	stream.indirect_vreg.gather [hbm4b:s18+s3], $0x80, v2, vm0, $0xb8;
	[tilespmem:$0x18200] =	vst v63  }
0xca: {  	s21 =	simm.s32 $0x7A00;
	s26 =	simm.s32 $0x2  }
0xcb: {  	[tilespmem:s21], [sflag:$0x1] =	stream.indirect_vreg.gather [hbm4b:s19+s3], $0x80, v2, vm0, $0xb8;
	[tilespmem:$0x18200] =	vst v63  }
0xcc: {  	_ =	swait.ge [sflag:s26], $0x8000  }
0xcd: {  	[sflag:s26] =	ssyncset.done $0x0  }
0xce: {  	s21 =	rddreg [dreg:$0x5];
	[sflag:s26] =	ssyncadd.s32 $0xFFFF8000;
	s26 =	simm.s32 $0x3  }
0xcf: {  	[hbm4b:s21+s28] =	stream.strided.scatter [tilespmem:s1], [sflag:$0x5], $0x8000, s5, s28, $0x38;
	[tilespmem:$0x18200] =	vst v63  }
0xd0: {  	_ =	swait.ge [sflag:s26], $0x8000  }
0xd1: {  	[sflag:s26] =	ssyncset.done $0x0  }
0xd2: {  	s4 =	rddreg [dreg:$0x6];
	[sflag:s26] =	ssyncadd.s32 $0xFFFF8000  }
0xd3: {  	[hbm4b:s4+s28] =	stream.strided.scatter [tilespmem:s0], [sflag:$0x6], $0x8000, s5, s28, $0x38;
	[tilespmem:$0x18200] =	vst v63  }
0xd4: {  	_ =	swait.ge [sflag:s30], $0x8000  }
0xd5: {  	[sflag:s30] =	ssyncset.done $0x0  }
0xd6: {  	s26 =	simm.s32 $0x5;
	s21 =	rddreg [dreg:$0x7];
	[sflag:s30] =	ssyncadd.s32 $0xFFFF8000  }
0xd7: {  	[hbm4b:s21+s28] =	stream.strided.scatter [tilespmem:s31], [sflag:$0x4], $0x8000, s5, s28, $0x38;
	[tilespmem:$0x18200] =	vst v63  }
0xd8: {  	_ =	swait.ge [sflag:s26], $0x8000  }
0xd9: {  	[sflag:s26] =	ssyncset.done $0x0  }
0xda: {  	s28 =	simm.s32 $0x6;
	[sflag:s26] =	ssyncadd.s32 $0xFFFF8000  }
0xdb: {  	p0 =	sne.s32 s20, $0x1;
	_ =	swait.ge [sflag:s28], $0x8000  }
.Ltmp0:
0xdc: {  	[sflag:s28] =	ssyncset.done $0x0;
	(pc) =	sbr.rel @p0 .LBB2_1-.Ltmp0, $4  }
0xdd: {  	[sflag:s28] =	ssyncadd.s32 $0xFFFF8000  }
0xde: {  	_ =	swait.ge [sflag:s2], $0x8000  }
0xdf: {  	[sflag:s2] =	ssyncset.done $0x0  }
0xe0: {  	s20 =	sadd.s32 $0xFFFFFFFF, s20;
	[sflag:s2] =	ssyncadd.s32 $0xFFFF8000  }
0xe1: {  	_ =	sfence.sel $0x180000  }
0xe2: {  	[bflag:$0x0] =	sbarrier.arrive $0xFFFF  }
0xe3: {  	_ =	strace $0x90000047  }
0xe4: {  	s0 =	stileid.u32;
	[bflag:$0x2] =	sbarrier.arrive $0xFFFF  }
0xe5: {  	p0 =	sne.s32 s0, $0x0;
	s0 =	rddreg [dreg:$0x3]  }
0xe6: {  	s0 =	sadd.s32 @!p0 $0x100000, s0  }
0xe7: {  	[sflag:s0] =	ssyncadd.tile.s32 @!p0 $0x1;
	_ =	shalt  }
.Lfunc_end2:
_tile_overlayer_lowered:
.L_overlay_start_2:
0xe8: {  	(tag) =	ssettag $0x2  }
0xe9: {  	s0 =	rddreg [dreg:$0x0];
	s2 =	stileid.u32  }
0xea: {  	s1 =	rddreg [dreg:$0x1];
	p0 =	sne.s32 s2, $0x0  }
0xeb: {  	s3 =	rddreg [dreg:$0x2];
	[bflag:$0x3] =	sbarrier.arrive $0xFFFF;
	s2 =	simm.s32 @!p0 $0x1C07  }
0xec: {  	[timem:s3], [sflag:s2] =	dma.local @!p0 [hbm:s0], s1  }
0xed: {  	s0 =	simm.s32 @!p0 $0x7  }
0xee: {  	_ =	swait.ge @!p0 [sflag:s0], s1  }
0xef: {  	s1 =	ssub.s32 @!p0 $0x0, s1;
	[sflag:s0] =	ssyncset.done @!p0 $0x0  }
0xf0: {  	[sflag:s0] =	ssyncadd.s32 @!p0 s1  }
0xf1: {  	[bflag:$0x3] =	sbarrier.arrive $0xFFFF  }
0xf2: {  	_ =	shalt  }

</sc_bundles>
